<compile_context>
chip_gen: v7x
topology: tpu7x:2x2x1
jax: 0.10.2.dev20260603
libtpu: 0.0.44.dev20260713+nightly
codegen_flags: <defaults>
</compile_context>

<pallas_src>
import functools

import jax
import jax.numpy as jnp
from jax import lax
from jax.experimental import pallas as pl
from jax.experimental.pallas import tpu as pltpu
from jax.experimental.pallas import tpu_sc as plsc

NC = 2
NS = 16
NW = NC * NS
L = 16
G = 8
ROWS = 128
COLS = 100000
R = 400
NCH = COLS // R
CPW = 8

_mesh = plsc.VectorSubcoreMesh(core_axis_name="c", subcore_axis_name="s")


@functools.partial(
    pl.kernel,
    out_type=(
        jax.ShapeDtypeStruct((NW, G * L), jnp.float32),
        jax.ShapeDtypeStruct((NW, G * L), jnp.int32),
    ),
    mesh=_mesh,
    compiler_params=pltpu.CompilerParams(use_tc_tiling_on_sc=True),
    scratch_types=[
        pltpu.VMEM((R, ROWS), jnp.float32),
        pltpu.VMEM((R, ROWS), jnp.float32),
        pltpu.VMEM((G * L,), jnp.float32),
        pltpu.VMEM((G * L,), jnp.int32),
        pltpu.SemaphoreType.DMA,
        pltpu.SemaphoreType.DMA,
    ],
)
def _argmax_sc(xt_hbm, outv_hbm, outi_hbm, buf0, buf1, resv, resi, sem0, sem1):
    wid = lax.axis_index("s") * NC + lax.axis_index("c")

    def chunk_r0(i):
        return jnp.minimum(wid + NW * i, NCH - 1) * R

    def chunk_src(i):
        return xt_hbm.at[pl.ds(chunk_r0(i), R), :]

    bufs = (buf0, buf1)
    sems = (sem0, sem1)

    pltpu.async_copy(chunk_src(0), buf0, sem0)

    accv = tuple(jnp.full((L,), -jnp.inf, jnp.float32) for _ in range(G))
    acci = tuple(jnp.zeros((L,), jnp.int32) for _ in range(G))

    for i in range(CPW):
        s = i & 1
        if i + 1 < CPW:
            pltpu.async_copy(chunk_src(i + 1), bufs[1 - s], sems[1 - s])
        pltpu.make_async_copy(chunk_src(i), bufs[s], sems[s]).wait()

        def body(k, carry, buf=bufs[s]):
            accv, acci, cur = carry
            nv, ni = [], []
            for g in range(G):
                v = buf[k, pl.ds(g * L, L)]
                pred = v > accv[g]
                nv.append(jnp.where(pred, v, accv[g]))
                ni.append(jnp.where(pred, cur, acci[g]))
            return tuple(nv), tuple(ni), cur + 1

        cur0 = jnp.full((L,), chunk_r0(i), jnp.int32)
        accv, acci, _ = lax.fori_loop(
            0, R, body, (accv, acci, cur0), unroll=2
        )

    for g in range(G):
        resv[pl.ds(g * L, L)] = accv[g]
        resi[pl.ds(g * L, L)] = acci[g]
    pltpu.sync_copy(resv, outv_hbm.at[wid])
    pltpu.sync_copy(resi, outi_hbm.at[wid])


def kernel(m_logits):
    outv, outi = _argmax_sc(m_logits.T)
    bv, bi = outv[0], outi[0]
    for w in range(1, NW):
        pred = (outv[w] > bv) | ((outv[w] == bv) & (outi[w] < bi))
        bv = jnp.where(pred, outv[w], bv)
        bi = jnp.where(pred, outi[w], bi)
    return bi.reshape(ROWS, 1)

# --- scband reference (transcript-rebuilt; emitter-appended) ---
"""Pipeline reference for scband-greedy-head-6236292514470 (READ-ONLY COPY).

The authoritative reference and input builder live on the scoring server;
editing this copy changes nothing except your own understanding.
"""

import jax, jax.numpy as jnp
import numpy as np


def setup_inputs(seed: int = 0) -> dict:
    key = jax.random.key(seed)
    m_logits = jax.random.normal(key, (128, 100000), dtype=jnp.float32)
    return {"m_logits": m_logits}


def reference(m_logits):
    # torch.topk(m_logits.float(), 1) -> (values, indices); module returns indices only
    _, token = jax.lax.top_k(m_logits.astype(jnp.float32), 1)
    return token

if __name__ == "__main__":
    import jax
    _d = setup_inputs()
    print(jax.jit(kernel)(*tuple(_d.values())))

</pallas_src>

<mosaic_0001>
#map = affine_map<(d0, d1) -> (0, 0)>
module attributes {stable_mosaic.version = 14 : i64} {
  func.func @_argmax_sc(%arg0: i32, %arg1: i32, %arg2: memref<100000x128xf32, #tpu.memory_space<hbm>>, %arg3: memref<32x128xf32, #tpu.memory_space<hbm>>, %arg4: memref<32x128xi32, #tpu.memory_space<hbm>>, %arg5: memref<400x128xf32, #tpu.memory_space<vmem>>, %arg6: memref<400x128xf32, #tpu.memory_space<vmem>>, %arg7: memref<128xf32, #tpu.memory_space<vmem>>, %arg8: memref<128xi32, #tpu.memory_space<vmem>>, %arg9: memref<!tpu.dma_semaphore, #tpu.memory_space<semaphore_mem>>, %arg10: memref<!tpu.dma_semaphore, #tpu.memory_space<semaphore_mem>>) attributes {dimension_semantics = [#tpu.dimension_semantics<core_parallel>, #tpu.dimension_semantics<subcore_parallel>], iteration_bounds = array<i64: 2, 16>, scalar_prefetch = 0 : i64, scratch_operands = 6 : i64, tpu.core_type = #tpu.core_type<sc_vector_subcore>, window_params = [{transform_indices = #map}, {transform_indices = #map}, {transform_indices = #map}]} {
    %mul3A = arith.constant 2 : i32
    %mul3A_0 = arith.muli %arg1, %mul3A : i32
    %add3A = arith.addi %mul3A_0, %arg0 : i32
    %add3A_1 = arith.constant 0 : i32
    %add3A_2 = arith.addi %add3A, %add3A_1 : i32
    %min3A = arith.constant 249 : i32
    %min3A_3 = arith.minsi %add3A_2, %min3A : i32
    %mul3A_4 = arith.constant 400 : i32
    %mul3A_5 = arith.muli %min3A_3, %mul3A_4 : i32
    %dma_start3A = arith.constant 0 : i32
    %dma_start3A_6 = tpu.memref_slice %arg2[%mul3A_5, %dma_start3A] : memref<100000x128xf32, #tpu.memory_space<hbm>> -> memref<400x128xf32, #tpu.memory_space<hbm>>
    %dma_start3A_7 = arith.constant 0 : i32
    %dma_start3A_8 = tpu.memref_slice %arg2[%mul3A_5, %dma_start3A_7] : memref<100000x128xf32, #tpu.memory_space<hbm>> -> memref<400x128xf32, #tpu.memory_space<hbm>>
    tpu.enqueue_dma source(%dma_start3A_8 : memref<400x128xf32, #tpu.memory_space<hbm>>) target(%arg5 : memref<400x128xf32, #tpu.memory_space<vmem>>) target_semaphore(%arg9 : memref<!tpu.dma_semaphore, #tpu.memory_space<semaphore_mem>>)
    %broadcast_in_dim3A = arith.constant 0xFF800000 : f32
    %broadcast_in_dim3A_9 = vector.broadcast %broadcast_in_dim3A : f32 to vector<16xf32>
    %broadcast_in_dim3A_10 = arith.constant 0xFF800000 : f32
    %broadcast_in_dim3A_11 = vector.broadcast %broadcast_in_dim3A_10 : f32 to vector<16xf32>
    %broadcast_in_dim3A_12 = arith.constant 0xFF800000 : f32
    %broadcast_in_dim3A_13 = vector.broadcast %broadcast_in_dim3A_12 : f32 to vector<16xf32>
    %broadcast_in_dim3A_14 = arith.constant 0xFF800000 : f32
    %broadcast_in_dim3A_15 = vector.broadcast %broadcast_in_dim3A_14 : f32 to vector<16xf32>
    %broadcast_in_dim3A_16 = arith.constant 0xFF800000 : f32
    %broadcast_in_dim3A_17 = vector.broadcast %broadcast_in_dim3A_16 : f32 to vector<16xf32>
    %broadcast_in_dim3A_18 = arith.constant 0xFF800000 : f32
    %broadcast_in_dim3A_19 = vector.broadcast %broadcast_in_dim3A_18 : f32 to vector<16xf32>
    %broadcast_in_dim3A_20 = arith.constant 0xFF800000 : f32
    %broadcast_in_dim3A_21 = vector.broadcast %broadcast_in_dim3A_20 : f32 to vector<16xf32>
    %broadcast_in_dim3A_22 = arith.constant 0xFF800000 : f32
    %broadcast_in_dim3A_23 = vector.broadcast %broadcast_in_dim3A_22 : f32 to vector<16xf32>
    %broadcast_in_dim3A_24 = arith.constant 0 : i32
    %broadcast_in_dim3A_25 = vector.broadcast %broadcast_in_dim3A_24 : i32 to vector<16xi32>
    %broadcast_in_dim3A_26 = arith.constant 0 : i32
    %broadcast_in_dim3A_27 = vector.broadcast %broadcast_in_dim3A_26 : i32 to vector<16xi32>
    %broadcast_in_dim3A_28 = arith.constant 0 : i32
    %broadcast_in_dim3A_29 = vector.broadcast %broadcast_in_dim3A_28 : i32 to vector<16xi32>
    %broadcast_in_dim3A_30 = arith.constant 0 : i32
    %broadcast_in_dim3A_31 = vector.broadcast %broadcast_in_dim3A_30 : i32 to vector<16xi32>
    %broadcast_in_dim3A_32 = arith.constant 0 : i32
    %broadcast_in_dim3A_33 = vector.broadcast %broadcast_in_dim3A_32 : i32 to vector<16xi32>
    %broadcast_in_dim3A_34 = arith.constant 0 : i32
    %broadcast_in_dim3A_35 = vector.broadcast %broadcast_in_dim3A_34 : i32 to vector<16xi32>
    %broadcast_in_dim3A_36 = arith.constant 0 : i32
    %broadcast_in_dim3A_37 = vector.broadcast %broadcast_in_dim3A_36 : i32 to vector<16xi32>
    %broadcast_in_dim3A_38 = arith.constant 0 : i32
    %broadcast_in_dim3A_39 = vector.broadcast %broadcast_in_dim3A_38 : i32 to vector<16xi32>
    %add3A_40 = arith.constant 32 : i32
    %add3A_41 = arith.addi %add3A, %add3A_40 : i32
    %min3A_42 = arith.constant 249 : i32
    %min3A_43 = arith.minsi %add3A_41, %min3A_42 : i32
    %mul3A_44 = arith.constant 400 : i32
    %mul3A_45 = arith.muli %min3A_43, %mul3A_44 : i32
    %dma_start3A_46 = arith.constant 0 : i32
    %dma_start3A_47 = tpu.memref_slice %arg2[%mul3A_45, %dma_start3A_46] : memref<100000x128xf32, #tpu.memory_space<hbm>> -> memref<400x128xf32, #tpu.memory_space<hbm>>
    %dma_start3A_48 = arith.constant 0 : i32
    %dma_start3A_49 = tpu.memref_slice %arg2[%mul3A_45, %dma_start3A_48] : memref<100000x128xf32, #tpu.memory_space<hbm>> -> memref<400x128xf32, #tpu.memory_space<hbm>>
    tpu.enqueue_dma source(%dma_start3A_49 : memref<400x128xf32, #tpu.memory_space<hbm>>) target(%arg6 : memref<400x128xf32, #tpu.memory_space<vmem>>) target_semaphore(%arg10 : memref<!tpu.dma_semaphore, #tpu.memory_space<semaphore_mem>>)
    %add3A_50 = arith.constant 0 : i32
    %add3A_51 = arith.addi %add3A, %add3A_50 : i32
    %min3A_52 = arith.constant 249 : i32
    %min3A_53 = arith.minsi %add3A_51, %min3A_52 : i32
    %mul3A_54 = arith.constant 400 : i32
    %mul3A_55 = arith.muli %min3A_53, %mul3A_54 : i32
    %dma_wait3A = arith.constant 0 : i32
    %dma_wait3A_56 = tpu.memref_slice %arg2[%mul3A_55, %dma_wait3A] : memref<100000x128xf32, #tpu.memory_space<hbm>> -> memref<400x128xf32, #tpu.memory_space<hbm>>
    %dma_wait3A_57 = arith.constant 0 : i32
    %dma_wait3A_58 = tpu.memref_slice %arg2[%mul3A_55, %dma_wait3A_57] : memref<100000x128xf32, #tpu.memory_space<hbm>> -> memref<400x128xf32, #tpu.memory_space<hbm>>
    tpu.wait_dma2 semaphore(%arg9 : memref<!tpu.dma_semaphore, #tpu.memory_space<semaphore_mem>>) src(%dma_wait3A_58 : memref<400x128xf32, #tpu.memory_space<hbm>>) dst(%arg5 : memref<400x128xf32, #tpu.memory_space<vmem>>)
    %add3A_59 = arith.constant 0 : i32
    %add3A_60 = arith.addi %add3A, %add3A_59 : i32
    %min3A_61 = arith.constant 249 : i32
    %min3A_62 = arith.minsi %add3A_60, %min3A_61 : i32
    %mul3A_63 = arith.constant 400 : i32
    %mul3A_64 = arith.muli %min3A_62, %mul3A_63 : i32
    %broadcast_in_dim3A_65 = vector.broadcast %mul3A_64 : i32 to vector<16xi32>
    %scan3A = arith.constant 0 : i32
    %scan3A_66 = arith.constant 400 : i32
    %scan3A_67 = arith.addi %scan3A, %scan3A_66 : i32
    %scan3A_68 = arith.constant 2 : i32
    %scan3A_69:17 = scf.for %scan3A_355 = %scan3A to %scan3A_67 step %scan3A_68 iter_args(%scan3A_356 = %broadcast_in_dim3A_9, %scan3A_357 = %broadcast_in_dim3A_11, %scan3A_358 = %broadcast_in_dim3A_13, %scan3A_359 = %broadcast_in_dim3A_15, %scan3A_360 = %broadcast_in_dim3A_17, %scan3A_361 = %broadcast_in_dim3A_19, %scan3A_362 = %broadcast_in_dim3A_21, %scan3A_363 = %broadcast_in_dim3A_23, %scan3A_364 = %broadcast_in_dim3A_25, %scan3A_365 = %broadcast_in_dim3A_27, %scan3A_366 = %broadcast_in_dim3A_29, %scan3A_367 = %broadcast_in_dim3A_31, %scan3A_368 = %broadcast_in_dim3A_33, %scan3A_369 = %broadcast_in_dim3A_35, %scan3A_370 = %broadcast_in_dim3A_37, %scan3A_371 = %broadcast_in_dim3A_39, %scan3A_372 = %broadcast_in_dim3A_65) -> (vector<16xf32>, vector<16xf32>, vector<16xf32>, vector<16xf32>, vector<16xf32>, vector<16xf32>, vector<16xf32>, vector<16xf32>, vector<16xi32>, vector<16xi32>, vector<16xi32>, vector<16xi32>, vector<16xi32>, vector<16xi32>, vector<16xi32>, vector<16xi32>, vector<16xi32>)  : i32 {
      %get3A = arith.index_cast %scan3A_355 : i32 to index
      %get3A_373 = arith.constant 0 : index
      %get3A_374 = tpu.vector_load %arg5[%get3A, %get3A_373] {strides = array<i32>} : memref<400x128xf32, #tpu.memory_space<vmem>>, vector<1x16xf32>,
      %get3A_375 = vector.shape_cast %get3A_374 : vector<1x16xf32> to vector<16xf32>
      %gt3A = arith.cmpf ogt, %get3A_375, %scan3A_356 : vector<16xf32>
      %select_n3A = arith.select %gt3A, %get3A_375, %scan3A_356 : vector<16xi1>, vector<16xf32>
      %select_n3A_376 = arith.select %gt3A, %scan3A_372, %scan3A_364 : vector<16xi1>, vector<16xi32>
      %get3A_377 = arith.index_cast %scan3A_355 : i32 to index
      %get3A_378 = arith.constant 16 : index
      %get3A_379 = tpu.vector_load %arg5[%get3A_377, %get3A_378] {strides = array<i32>} : memref<400x128xf32, #tpu.memory_space<vmem>>, vector<1x16xf32>,
      %get3A_380 = vector.shape_cast %get3A_379 : vector<1x16xf32> to vector<16xf32>
      %gt3A_381 = arith.cmpf ogt, %get3A_380, %scan3A_357 : vector<16xf32>
      %select_n3A_382 = arith.select %gt3A_381, %get3A_380, %scan3A_357 : vector<16xi1>, vector<16xf32>
      %select_n3A_383 = arith.select %gt3A_381, %scan3A_372, %scan3A_365 : vector<16xi1>, vector<16xi32>
      %get3A_384 = arith.index_cast %scan3A_355 : i32 to index
      %get3A_385 = arith.constant 32 : index
      %get3A_386 = tpu.vector_load %arg5[%get3A_384, %get3A_385] {strides = array<i32>} : memref<400x128xf32, #tpu.memory_space<vmem>>, vector<1x16xf32>,
      %get3A_387 = vector.shape_cast %get3A_386 : vector<1x16xf32> to vector<16xf32>
      %gt3A_388 = arith.cmpf ogt, %get3A_387, %scan3A_358 : vector<16xf32>
      %select_n3A_389 = arith.select %gt3A_388, %get3A_387, %scan3A_358 : vector<16xi1>, vector<16xf32>
      %select_n3A_390 = arith.select %gt3A_388, %scan3A_372, %scan3A_366 : vector<16xi1>, vector<16xi32>
      %get3A_391 = arith.index_cast %scan3A_355 : i32 to index
      %get3A_392 = arith.constant 48 : index
      %get3A_393 = tpu.vector_load %arg5[%get3A_391, %get3A_392] {strides = array<i32>} : memref<400x128xf32, #tpu.memory_space<vmem>>, vector<1x16xf32>,
      %get3A_394 = vector.shape_cast %get3A_393 : vector<1x16xf32> to vector<16xf32>
      %gt3A_395 = arith.cmpf ogt, %get3A_394, %scan3A_359 : vector<16xf32>
      %select_n3A_396 = arith.select %gt3A_395, %get3A_394, %scan3A_359 : vector<16xi1>, vector<16xf32>
      %select_n3A_397 = arith.select %gt3A_395, %scan3A_372, %scan3A_367 : vector<16xi1>, vector<16xi32>
      %get3A_398 = arith.index_cast %scan3A_355 : i32 to index
      %get3A_399 = arith.constant 64 : index
      %get3A_400 = tpu.vector_load %arg5[%get3A_398, %get3A_399] {strides = array<i32>} : memref<400x128xf32, #tpu.memory_space<vmem>>, vector<1x16xf32>,
      %get3A_401 = vector.shape_cast %get3A_400 : vector<1x16xf32> to vector<16xf32>
      %gt3A_402 = arith.cmpf ogt, %get3A_401, %scan3A_360 : vector<16xf32>
      %select_n3A_403 = arith.select %gt3A_402, %get3A_401, %scan3A_360 : vector<16xi1>, vector<16xf32>
      %select_n3A_404 = arith.select %gt3A_402, %scan3A_372, %scan3A_368 : vector<16xi1>, vector<16xi32>
      %get3A_405 = arith.index_cast %scan3A_355 : i32 to index
      %get3A_406 = arith.constant 80 : index
      %get3A_407 = tpu.vector_load %arg5[%get3A_405, %get3A_406] {strides = array<i32>} : memref<400x128xf32, #tpu.memory_space<vmem>>, vector<1x16xf32>,
      %get3A_408 = vector.shape_cast %get3A_407 : vector<1x16xf32> to vector<16xf32>
      %gt3A_409 = arith.cmpf ogt, %get3A_408, %scan3A_361 : vector<16xf32>
      %select_n3A_410 = arith.select %gt3A_409, %get3A_408, %scan3A_361 : vector<16xi1>, vector<16xf32>
      %select_n3A_411 = arith.select %gt3A_409, %scan3A_372, %scan3A_369 : vector<16xi1>, vector<16xi32>
      %get3A_412 = arith.index_cast %scan3A_355 : i32 to index
      %get3A_413 = arith.constant 96 : index
      %get3A_414 = tpu.vector_load %arg5[%get3A_412, %get3A_413] {strides = array<i32>} : memref<400x128xf32, #tpu.memory_space<vmem>>, vector<1x16xf32>,
      %get3A_415 = vector.shape_cast %get3A_414 : vector<1x16xf32> to vector<16xf32>
      %gt3A_416 = arith.cmpf ogt, %get3A_415, %scan3A_362 : vector<16xf32>
      %select_n3A_417 = arith.select %gt3A_416, %get3A_415, %scan3A_362 : vector<16xi1>, vector<16xf32>
      %select_n3A_418 = arith.select %gt3A_416, %scan3A_372, %scan3A_370 : vector<16xi1>, vector<16xi32>
      %get3A_419 = arith.index_cast %scan3A_355 : i32 to index
      %get3A_420 = arith.constant 112 : index
      %get3A_421 = tpu.vector_load %arg5[%get3A_419, %get3A_420] {strides = array<i32>} : memref<400x128xf32, #tpu.memory_space<vmem>>, vector<1x16xf32>,
      %get3A_422 = vector.shape_cast %get3A_421 : vector<1x16xf32> to vector<16xf32>
      %gt3A_423 = arith.cmpf ogt, %get3A_422, %scan3A_363 : vector<16xf32>
      %select_n3A_424 = arith.select %gt3A_423, %get3A_422, %scan3A_363 : vector<16xi1>, vector<16xf32>
      %select_n3A_425 = arith.select %gt3A_423, %scan3A_372, %scan3A_371 : vector<16xi1>, vector<16xi32>
      %add3A_426 = arith.constant 1 : i32
      %add3A_427 = vector.broadcast %add3A_426 : i32 to vector<16xi32>
      %add3A_428 = arith.addi %scan3A_372, %add3A_427 : vector<16xi32>
      %scan3A_429 = arith.constant 1 : i32
      %scan3A_430 = arith.addi %scan3A_355, %scan3A_429 : i32
      %get3A_431 = arith.index_cast %scan3A_430 : i32 to index
      %get3A_432 = arith.constant 0 : index
      %get3A_433 = tpu.vector_load %arg5[%get3A_431, %get3A_432] {strides = array<i32>} : memref<400x128xf32, #tpu.memory_space<vmem>>, vector<1x16xf32>,
      %get3A_434 = vector.shape_cast %get3A_433 : vector<1x16xf32> to vector<16xf32>
      %gt3A_435 = arith.cmpf ogt, %get3A_434, %select_n3A : vector<16xf32>
      %select_n3A_436 = arith.select %gt3A_435, %get3A_434, %select_n3A : vector<16xi1>, vector<16xf32>
      %select_n3A_437 = arith.select %gt3A_435, %add3A_428, %select_n3A_376 : vector<16xi1>, vector<16xi32>
      %get3A_438 = arith.index_cast %scan3A_430 : i32 to index
      %get3A_439 = arith.constant 16 : index
      %get3A_440 = tpu.vector_load %arg5[%get3A_438, %get3A_439] {strides = array<i32>} : memref<400x128xf32, #tpu.memory_space<vmem>>, vector<1x16xf32>,
      %get3A_441 = vector.shape_cast %get3A_440 : vector<1x16xf32> to vector<16xf32>
      %gt3A_442 = arith.cmpf ogt, %get3A_441, %select_n3A_382 : vector<16xf32>
      %select_n3A_443 = arith.select %gt3A_442, %get3A_441, %select_n3A_382 : vector<16xi1>, vector<16xf32>
      %select_n3A_444 = arith.select %gt3A_442, %add3A_428, %select_n3A_383 : vector<16xi1>, vector<16xi32>
      %get3A_445 = arith.index_cast %scan3A_430 : i32 to index
      %get3A_446 = arith.constant 32 : index
      %get3A_447 = tpu.vector_load %arg5[%get3A_445, %get3A_446] {strides = array<i32>} : memref<400x128xf32, #tpu.memory_space<vmem>>, vector<1x16xf32>,
      %get3A_448 = vector.shape_cast %get3A_447 : vector<1x16xf32> to vector<16xf32>
      %gt3A_449 = arith.cmpf ogt, %get3A_448, %select_n3A_389 : vector<16xf32>
      %select_n3A_450 = arith.select %gt3A_449, %get3A_448, %select_n3A_389 : vector<16xi1>, vector<16xf32>
      %select_n3A_451 = arith.select %gt3A_449, %add3A_428, %select_n3A_390 : vector<16xi1>, vector<16xi32>
      %get3A_452 = arith.index_cast %scan3A_430 : i32 to index
      %get3A_453 = arith.constant 48 : index
      %get3A_454 = tpu.vector_load %arg5[%get3A_452, %get3A_453] {strides = array<i32>} : memref<400x128xf32, #tpu.memory_space<vmem>>, vector<1x16xf32>,
      %get3A_455 = vector.shape_cast %get3A_454 : vector<1x16xf32> to vector<16xf32>
      %gt3A_456 = arith.cmpf ogt, %get3A_455, %select_n3A_396 : vector<16xf32>
      %select_n3A_457 = arith.select %gt3A_456, %get3A_455, %select_n3A_396 : vector<16xi1>, vector<16xf32>
      %select_n3A_458 = arith.select %gt3A_456, %add3A_428, %select_n3A_397 : vector<16xi1>, vector<16xi32>
      %get3A_459 = arith.index_cast %scan3A_430 : i32 to index
      %get3A_460 = arith.constant 64 : index
      %get3A_461 = tpu.vector_load %arg5[%get3A_459, %get3A_460] {strides = array<i32>} : memref<400x128xf32, #tpu.memory_space<vmem>>, vector<1x16xf32>,
      %get3A_462 = vector.shape_cast %get3A_461 : vector<1x16xf32> to vector<16xf32>
      %gt3A_463 = arith.cmpf ogt, %get3A_462, %select_n3A_403 : vector<16xf32>
      %select_n3A_464 = arith.select %gt3A_463, %get3A_462, %select_n3A_403 : vector<16xi1>, vector<16xf32>
      %select_n3A_465 = arith.select %gt3A_463, %add3A_428, %select_n3A_404 : vector<16xi1>, vector<16xi32>
      %get3A_466 = arith.index_cast %scan3A_430 : i32 to index
      %get3A_467 = arith.constant 80 : index
      %get3A_468 = tpu.vector_load %arg5[%get3A_466, %get3A_467] {strides = array<i32>} : memref<400x128xf32, #tpu.memory_space<vmem>>, vector<1x16xf32>,
      %get3A_469 = vector.shape_cast %get3A_468 : vector<1x16xf32> to vector<16xf32>
      %gt3A_470 = arith.cmpf ogt, %get3A_469, %select_n3A_410 : vector<16xf32>
      %select_n3A_471 = arith.select %gt3A_470, %get3A_469, %select_n3A_410 : vector<16xi1>, vector<16xf32>
      %select_n3A_472 = arith.select %gt3A_470, %add3A_428, %select_n3A_411 : vector<16xi1>, vector<16xi32>
      %get3A_473 = arith.index_cast %scan3A_430 : i32 to index
      %get3A_474 = arith.constant 96 : index
      %get3A_475 = tpu.vector_load %arg5[%get3A_473, %get3A_474] {strides = array<i32>} : memref<400x128xf32, #tpu.memory_space<vmem>>, vector<1x16xf32>,
      %get3A_476 = vector.shape_cast %get3A_475 : vector<1x16xf32> to vector<16xf32>
      %gt3A_477 = arith.cmpf ogt, %get3A_476, %select_n3A_417 : vector<16xf32>
      %select_n3A_478 = arith.select %gt3A_477, %get3A_476, %select_n3A_417 : vector<16xi1>, vector<16xf32>
      %select_n3A_479 = arith.select %gt3A_477, %add3A_428, %select_n3A_418 : vector<16xi1>, vector<16xi32>
      %get3A_480 = arith.index_cast %scan3A_430 : i32 to index
      %get3A_481 = arith.constant 112 : index
      %get3A_482 = tpu.vector_load %arg5[%get3A_480, %get3A_481] {strides = array<i32>} : memref<400x128xf32, #tpu.memory_space<vmem>>, vector<1x16xf32>,
      %get3A_483 = vector.shape_cast %get3A_482 : vector<1x16xf32> to vector<16xf32>
      %gt3A_484 = arith.cmpf ogt, %get3A_483, %select_n3A_424 : vector<16xf32>
      %select_n3A_485 = arith.select %gt3A_484, %get3A_483, %select_n3A_424 : vector<16xi1>, vector<16xf32>
      %select_n3A_486 = arith.select %gt3A_484, %add3A_428, %select_n3A_425 : vector<16xi1>, vector<16xi32>
      %add3A_487 = arith.constant 1 : i32
      %add3A_488 = vector.broadcast %add3A_487 : i32 to vector<16xi32>
      %add3A_489 = arith.addi %add3A_428, %add3A_488 : vector<16xi32>
      scf.yield %select_n3A_436, %select_n3A_443, %select_n3A_450, %select_n3A_457, %select_n3A_464, %select_n3A_471, %select_n3A_478, %select_n3A_485, %select_n3A_437, %select_n3A_444, %select_n3A_451, %select_n3A_458, %select_n3A_465, %select_n3A_472, %select_n3A_479, %select_n3A_486, %add3A_489 : vector<16xf32>, vector<16xf32>, vector<16xf32>, vector<16xf32>, vector<16xf32>, vector<16xf32>, vector<16xf32>, vector<16xf32>, vector<16xi32>, vector<16xi32>, vector<16xi32>, vector<16xi32>, vector<16xi32>, vector<16xi32>, vector<16xi32>, vector<16xi32>, vector<16xi32>
    }
    %scan3A_70 = arith.constant 400 : i32
    %add3A_71 = arith.constant 64 : i32
    %add3A_72 = arith.addi %add3A, %add3A_71 : i32
    %min3A_73 = arith.constant 249 : i32
    %min3A_74 = arith.minsi %add3A_72, %min3A_73 : i32
    %mul3A_75 = arith.constant 400 : i32
    %mul3A_76 = arith.muli %min3A_74, %mul3A_75 : i32
    %dma_start3A_77 = arith.constant 0 : i32
    %dma_start3A_78 = tpu.memref_slice %arg2[%mul3A_76, %dma_start3A_77] : memref<100000x128xf32, #tpu.memory_space<hbm>> -> memref<400x128xf32, #tpu.memory_space<hbm>>
    %dma_start3A_79 = arith.constant 0 : i32
    %dma_start3A_80 = tpu.memref_slice %arg2[%mul3A_76, %dma_start3A_79] : memref<100000x128xf32, #tpu.memory_space<hbm>> -> memref<400x128xf32, #tpu.memory_space<hbm>>
    tpu.enqueue_dma source(%dma_start3A_80 : memref<400x128xf32, #tpu.memory_space<hbm>>) target(%arg5 : memref<400x128xf32, #tpu.memory_space<vmem>>) target_semaphore(%arg9 : memref<!tpu.dma_semaphore, #tpu.memory_space<semaphore_mem>>)
    %add3A_81 = arith.constant 32 : i32
    %add3A_82 = arith.addi %add3A, %add3A_81 : i32
    %min3A_83 = arith.constant 249 : i32
    %min3A_84 = arith.minsi %add3A_82, %min3A_83 : i32
    %mul3A_85 = arith.constant 400 : i32
    %mul3A_86 = arith.muli %min3A_84, %mul3A_85 : i32
    %dma_wait3A_87 = arith.constant 0 : i32
    %dma_wait3A_88 = tpu.memref_slice %arg2[%mul3A_86, %dma_wait3A_87] : memref<100000x128xf32, #tpu.memory_space<hbm>> -> memref<400x128xf32, #tpu.memory_space<hbm>>
    %dma_wait3A_89 = arith.constant 0 : i32
    %dma_wait3A_90 = tpu.memref_slice %arg2[%mul3A_86, %dma_wait3A_89] : memref<100000x128xf32, #tpu.memory_space<hbm>> -> memref<400x128xf32, #tpu.memory_space<hbm>>
    tpu.wait_dma2 semaphore(%arg10 : memref<!tpu.dma_semaphore, #tpu.memory_space<semaphore_mem>>) src(%dma_wait3A_90 : memref<400x128xf32, #tpu.memory_space<hbm>>) dst(%arg6 : memref<400x128xf32, #tpu.memory_space<vmem>>)
    %add3A_91 = arith.constant 32 : i32
    %add3A_92 = arith.addi %add3A, %add3A_91 : i32
    %min3A_93 = arith.constant 249 : i32
    %min3A_94 = arith.minsi %add3A_92, %min3A_93 : i32
    %mul3A_95 = arith.constant 400 : i32
    %mul3A_96 = arith.muli %min3A_94, %mul3A_95 : i32
    %broadcast_in_dim3A_97 = vector.broadcast %mul3A_96 : i32 to vector<16xi32>
    %scan3A_98 = arith.constant 0 : i32
    %scan3A_99 = arith.constant 400 : i32
    %scan3A_100 = arith.addi %scan3A_98, %scan3A_99 : i32
    %scan3A_101 = arith.constant 2 : i32
    %scan3A_102:17 = scf.for %scan3A_355 = %scan3A_98 to %scan3A_100 step %scan3A_101 iter_args(%scan3A_356 = %scan3A_69#0, %scan3A_357 = %scan3A_69#1, %scan3A_358 = %scan3A_69#2, %scan3A_359 = %scan3A_69#3, %scan3A_360 = %scan3A_69#4, %scan3A_361 = %scan3A_69#5, %scan3A_362 = %scan3A_69#6, %scan3A_363 = %scan3A_69#7, %scan3A_364 = %scan3A_69#8, %scan3A_365 = %scan3A_69#9, %scan3A_366 = %scan3A_69#10, %scan3A_367 = %scan3A_69#11, %scan3A_368 = %scan3A_69#12, %scan3A_369 = %scan3A_69#13, %scan3A_370 = %scan3A_69#14, %scan3A_371 = %scan3A_69#15, %scan3A_372 = %broadcast_in_dim3A_97) -> (vector<16xf32>, vector<16xf32>, vector<16xf32>, vector<16xf32>, vector<16xf32>, vector<16xf32>, vector<16xf32>, vector<16xf32>, vector<16xi32>, vector<16xi32>, vector<16xi32>, vector<16xi32>, vector<16xi32>, vector<16xi32>, vector<16xi32>, vector<16xi32>, vector<16xi32>)  : i32 {
      %get3A = arith.index_cast %scan3A_355 : i32 to index
      %get3A_373 = arith.constant 0 : index
      %get3A_374 = tpu.vector_load %arg6[%get3A, %get3A_373] {strides = array<i32>} : memref<400x128xf32, #tpu.memory_space<vmem>>, vector<1x16xf32>,
      %get3A_375 = vector.shape_cast %get3A_374 : vector<1x16xf32> to vector<16xf32>
      %gt3A = arith.cmpf ogt, %get3A_375, %scan3A_356 : vector<16xf32>
      %select_n3A = arith.select %gt3A, %get3A_375, %scan3A_356 : vector<16xi1>, vector<16xf32>
      %select_n3A_376 = arith.select %gt3A, %scan3A_372, %scan3A_364 : vector<16xi1>, vector<16xi32>
      %get3A_377 = arith.index_cast %scan3A_355 : i32 to index
      %get3A_378 = arith.constant 16 : index
      %get3A_379 = tpu.vector_load %arg6[%get3A_377, %get3A_378] {strides = array<i32>} : memref<400x128xf32, #tpu.memory_space<vmem>>, vector<1x16xf32>,
      %get3A_380 = vector.shape_cast %get3A_379 : vector<1x16xf32> to vector<16xf32>
      %gt3A_381 = arith.cmpf ogt, %get3A_380, %scan3A_357 : vector<16xf32>
      %select_n3A_382 = arith.select %gt3A_381, %get3A_380, %scan3A_357 : vector<16xi1>, vector<16xf32>
      %select_n3A_383 = arith.select %gt3A_381, %scan3A_372, %scan3A_365 : vector<16xi1>, vector<16xi32>
      %get3A_384 = arith.index_cast %scan3A_355 : i32 to index
      %get3A_385 = arith.constant 32 : index
      %get3A_386 = tpu.vector_load %arg6[%get3A_384, %get3A_385] {strides = array<i32>} : memref<400x128xf32, #tpu.memory_space<vmem>>, vector<1x16xf32>,
      %get3A_387 = vector.shape_cast %get3A_386 : vector<1x16xf32> to vector<16xf32>
      %gt3A_388 = arith.cmpf ogt, %get3A_387, %scan3A_358 : vector<16xf32>
      %select_n3A_389 = arith.select %gt3A_388, %get3A_387, %scan3A_358 : vector<16xi1>, vector<16xf32>
      %select_n3A_390 = arith.select %gt3A_388, %scan3A_372, %scan3A_366 : vector<16xi1>, vector<16xi32>
      %get3A_391 = arith.index_cast %scan3A_355 : i32 to index
      %get3A_392 = arith.constant 48 : index
      %get3A_393 = tpu.vector_load %arg6[%get3A_391, %get3A_392] {strides = array<i32>} : memref<400x128xf32, #tpu.memory_space<vmem>>, vector<1x16xf32>,
      %get3A_394 = vector.shape_cast %get3A_393 : vector<1x16xf32> to vector<16xf32>
      %gt3A_395 = arith.cmpf ogt, %get3A_394, %scan3A_359 : vector<16xf32>
      %select_n3A_396 = arith.select %gt3A_395, %get3A_394, %scan3A_359 : vector<16xi1>, vector<16xf32>
      %select_n3A_397 = arith.select %gt3A_395, %scan3A_372, %scan3A_367 : vector<16xi1>, vector<16xi32>
      %get3A_398 = arith.index_cast %scan3A_355 : i32 to index
      %get3A_399 = arith.constant 64 : index
      %get3A_400 = tpu.vector_load %arg6[%get3A_398, %get3A_399] {strides = array<i32>} : memref<400x128xf32, #tpu.memory_space<vmem>>, vector<1x16xf32>,
      %get3A_401 = vector.shape_cast %get3A_400 : vector<1x16xf32> to vector<16xf32>
      %gt3A_402 = arith.cmpf ogt, %get3A_401, %scan3A_360 : vector<16xf32>
      %select_n3A_403 = arith.select %gt3A_402, %get3A_401, %scan3A_360 : vector<16xi1>, vector<16xf32>
      %select_n3A_404 = arith.select %gt3A_402, %scan3A_372, %scan3A_368 : vector<16xi1>, vector<16xi32>
      %get3A_405 = arith.index_cast %scan3A_355 : i32 to index
      %get3A_406 = arith.constant 80 : index
      %get3A_407 = tpu.vector_load %arg6[%get3A_405, %get3A_406] {strides = array<i32>} : memref<400x128xf32, #tpu.memory_space<vmem>>, vector<1x16xf32>,
      %get3A_408 = vector.shape_cast %get3A_407 : vector<1x16xf32> to vector<16xf32>
      %gt3A_409 = arith.cmpf ogt, %get3A_408, %scan3A_361 : vector<16xf32>
      %select_n3A_410 = arith.select %gt3A_409, %get3A_408, %scan3A_361 : vector<16xi1>, vector<16xf32>
      %select_n3A_411 = arith.select %gt3A_409, %scan3A_372, %scan3A_369 : vector<16xi1>, vector<16xi32>
      %get3A_412 = arith.index_cast %scan3A_355 : i32 to index
      %get3A_413 = arith.constant 96 : index
      %get3A_414 = tpu.vector_load %arg6[%get3A_412, %get3A_413] {strides = array<i32>} : memref<400x128xf32, #tpu.memory_space<vmem>>, vector<1x16xf32>,
      %get3A_415 = vector.shape_cast %get3A_414 : vector<1x16xf32> to vector<16xf32>
      %gt3A_416 = arith.cmpf ogt, %get3A_415, %scan3A_362 : vector<16xf32>
      %select_n3A_417 = arith.select %gt3A_416, %get3A_415, %scan3A_362 : vector<16xi1>, vector<16xf32>
      %select_n3A_418 = arith.select %gt3A_416, %scan3A_372, %scan3A_370 : vector<16xi1>, vector<16xi32>
      %get3A_419 = arith.index_cast %scan3A_355 : i32 to index
      %get3A_420 = arith.constant 112 : index
      %get3A_421 = tpu.vector_load %arg6[%get3A_419, %get3A_420] {strides = array<i32>} : memref<400x128xf32, #tpu.memory_space<vmem>>, vector<1x16xf32>,
      %get3A_422 = vector.shape_cast %get3A_421 : vector<1x16xf32> to vector<16xf32>
      %gt3A_423 = arith.cmpf ogt, %get3A_422, %scan3A_363 : vector<16xf32>
      %select_n3A_424 = arith.select %gt3A_423, %get3A_422, %scan3A_363 : vector<16xi1>, vector<16xf32>
      %select_n3A_425 = arith.select %gt3A_423, %scan3A_372, %scan3A_371 : vector<16xi1>, vector<16xi32>
      %add3A_426 = arith.constant 1 : i32
      %add3A_427 = vector.broadcast %add3A_426 : i32 to vector<16xi32>
      %add3A_428 = arith.addi %scan3A_372, %add3A_427 : vector<16xi32>
      %scan3A_429 = arith.constant 1 : i32
      %scan3A_430 = arith.addi %scan3A_355, %scan3A_429 : i32
      %get3A_431 = arith.index_cast %scan3A_430 : i32 to index
      %get3A_432 = arith.constant 0 : index
      %get3A_433 = tpu.vector_load %arg6[%get3A_431, %get3A_432] {strides = array<i32>} : memref<400x128xf32, #tpu.memory_space<vmem>>, vector<1x16xf32>,
      %get3A_434 = vector.shape_cast %get3A_433 : vector<1x16xf32> to vector<16xf32>
      %gt3A_435 = arith.cmpf ogt, %get3A_434, %select_n3A : vector<16xf32>
      %select_n3A_436 = arith.select %gt3A_435, %get3A_434, %select_n3A : vector<16xi1>, vector<16xf32>
      %select_n3A_437 = arith.select %gt3A_435, %add3A_428, %select_n3A_376 : vector<16xi1>, vector<16xi32>
      %get3A_438 = arith.index_cast %scan3A_430 : i32 to index
      %get3A_439 = arith.constant 16 : index
      %get3A_440 = tpu.vector_load %arg6[%get3A_438, %get3A_439] {strides = array<i32>} : memref<400x128xf32, #tpu.memory_space<vmem>>, vector<1x16xf32>,
      %get3A_441 = vector.shape_cast %get3A_440 : vector<1x16xf32> to vector<16xf32>
      %gt3A_442 = arith.cmpf ogt, %get3A_441, %select_n3A_382 : vector<16xf32>
      %select_n3A_443 = arith.select %gt3A_442, %get3A_441, %select_n3A_382 : vector<16xi1>, vector<16xf32>
      %select_n3A_444 = arith.select %gt3A_442, %add3A_428, %select_n3A_383 : vector<16xi1>, vector<16xi32>
      %get3A_445 = arith.index_cast %scan3A_430 : i32 to index
      %get3A_446 = arith.constant 32 : index
      %get3A_447 = tpu.vector_load %arg6[%get3A_445, %get3A_446] {strides = array<i32>} : memref<400x128xf32, #tpu.memory_space<vmem>>, vector<1x16xf32>,
      %get3A_448 = vector.shape_cast %get3A_447 : vector<1x16xf32> to vector<16xf32>
      %gt3A_449 = arith.cmpf ogt, %get3A_448, %select_n3A_389 : vector<16xf32>
      %select_n3A_450 = arith.select %gt3A_449, %get3A_448, %select_n3A_389 : vector<16xi1>, vector<16xf32>
      %select_n3A_451 = arith.select %gt3A_449, %add3A_428, %select_n3A_390 : vector<16xi1>, vector<16xi32>
      %get3A_452 = arith.index_cast %scan3A_430 : i32 to index
      %get3A_453 = arith.constant 48 : index
      %get3A_454 = tpu.vector_load %arg6[%get3A_452, %get3A_453] {strides = array<i32>} : memref<400x128xf32, #tpu.memory_space<vmem>>, vector<1x16xf32>,
      %get3A_455 = vector.shape_cast %get3A_454 : vector<1x16xf32> to vector<16xf32>
      %gt3A_456 = arith.cmpf ogt, %get3A_455, %select_n3A_396 : vector<16xf32>
      %select_n3A_457 = arith.select %gt3A_456, %get3A_455, %select_n3A_396 : vector<16xi1>, vector<16xf32>
      %select_n3A_458 = arith.select %gt3A_456, %add3A_428, %select_n3A_397 : vector<16xi1>, vector<16xi32>
      %get3A_459 = arith.index_cast %scan3A_430 : i32 to index
      %get3A_460 = arith.constant 64 : index
      %get3A_461 = tpu.vector_load %arg6[%get3A_459, %get3A_460] {strides = array<i32>} : memref<400x128xf32, #tpu.memory_space<vmem>>, vector<1x16xf32>,
      %get3A_462 = vector.shape_cast %get3A_461 : vector<1x16xf32> to vector<16xf32>
      %gt3A_463 = arith.cmpf ogt, %get3A_462, %select_n3A_403 : vector<16xf32>
      %select_n3A_464 = arith.select %gt3A_463, %get3A_462, %select_n3A_403 : vector<16xi1>, vector<16xf32>
      %select_n3A_465 = arith.select %gt3A_463, %add3A_428, %select_n3A_404 : vector<16xi1>, vector<16xi32>
      %get3A_466 = arith.index_cast %scan3A_430 : i32 to index
      %get3A_467 = arith.constant 80 : index
      %get3A_468 = tpu.vector_load %arg6[%get3A_466, %get3A_467] {strides = array<i32>} : memref<400x128xf32, #tpu.memory_space<vmem>>, vector<1x16xf32>,
      %get3A_469 = vector.shape_cast %get3A_468 : vector<1x16xf32> to vector<16xf32>
      %gt3A_470 = arith.cmpf ogt, %get3A_469, %select_n3A_410 : vector<16xf32>
      %select_n3A_471 = arith.select %gt3A_470, %get3A_469, %select_n3A_410 : vector<16xi1>, vector<16xf32>
      %select_n3A_472 = arith.select %gt3A_470, %add3A_428, %select_n3A_411 : vector<16xi1>, vector<16xi32>
      %get3A_473 = arith.index_cast %scan3A_430 : i32 to index
      %get3A_474 = arith.constant 96 : index
      %get3A_475 = tpu.vector_load %arg6[%get3A_473, %get3A_474] {strides = array<i32>} : memref<400x128xf32, #tpu.memory_space<vmem>>, vector<1x16xf32>,
      %get3A_476 = vector.shape_cast %get3A_475 : vector<1x16xf32> to vector<16xf32>
      %gt3A_477 = arith.cmpf ogt, %get3A_476, %select_n3A_417 : vector<16xf32>
      %select_n3A_478 = arith.select %gt3A_477, %get3A_476, %select_n3A_417 : vector<16xi1>, vector<16xf32>
      %select_n3A_479 = arith.select %gt3A_477, %add3A_428, %select_n3A_418 : vector<16xi1>, vector<16xi32>
      %get3A_480 = arith.index_cast %scan3A_430 : i32 to index
      %get3A_481 = arith.constant 112 : index
      %get3A_482 = tpu.vector_load %arg6[%get3A_480, %get3A_481] {strides = array<i32>} : memref<400x128xf32, #tpu.memory_space<vmem>>, vector<1x16xf32>,
      %get3A_483 = vector.shape_cast %get3A_482 : vector<1x16xf32> to vector<16xf32>
      %gt3A_484 = arith.cmpf ogt, %get3A_483, %select_n3A_424 : vector<16xf32>
      %select_n3A_485 = arith.select %gt3A_484, %get3A_483, %select_n3A_424 : vector<16xi1>, vector<16xf32>
      %select_n3A_486 = arith.select %gt3A_484, %add3A_428, %select_n3A_425 : vector<16xi1>, vector<16xi32>
      %add3A_487 = arith.constant 1 : i32
      %add3A_488 = vector.broadcast %add3A_487 : i32 to vector<16xi32>
      %add3A_489 = arith.addi %add3A_428, %add3A_488 : vector<16xi32>
      scf.yield %select_n3A_436, %select_n3A_443, %select_n3A_450, %select_n3A_457, %select_n3A_464, %select_n3A_471, %select_n3A_478, %select_n3A_485, %select_n3A_437, %select_n3A_444, %select_n3A_451, %select_n3A_458, %select_n3A_465, %select_n3A_472, %select_n3A_479, %select_n3A_486, %add3A_489 : vector<16xf32>, vector<16xf32>, vector<16xf32>, vector<16xf32>, vector<16xf32>, vector<16xf32>, vector<16xf32>, vector<16xf32>, vector<16xi32>, vector<16xi32>, vector<16xi32>, vector<16xi32>, vector<16xi32>, vector<16xi32>, vector<16xi32>, vector<16xi32>, vector<16xi32>
    }
    %scan3A_103 = arith.constant 400 : i32
    %add3A_104 = arith.constant 96 : i32
    %add3A_105 = arith.addi %add3A, %add3A_104 : i32
    %min3A_106 = arith.constant 249 : i32
    %min3A_107 = arith.minsi %add3A_105, %min3A_106 : i32
    %mul3A_108 = arith.constant 400 : i32
    %mul3A_109 = arith.muli %min3A_107, %mul3A_108 : i32
    %dma_start3A_110 = arith.constant 0 : i32
    %dma_start3A_111 = tpu.memref_slice %arg2[%mul3A_109, %dma_start3A_110] : memref<100000x128xf32, #tpu.memory_space<hbm>> -> memref<400x128xf32, #tpu.memory_space<hbm>>
    %dma_start3A_112 = arith.constant 0 : i32
    %dma_start3A_113 = tpu.memref_slice %arg2[%mul3A_109, %dma_start3A_112] : memref<100000x128xf32, #tpu.memory_space<hbm>> -> memref<400x128xf32, #tpu.memory_space<hbm>>
    tpu.enqueue_dma source(%dma_start3A_113 : memref<400x128xf32, #tpu.memory_space<hbm>>) target(%arg6 : memref<400x128xf32, #tpu.memory_space<vmem>>) target_semaphore(%arg10 : memref<!tpu.dma_semaphore, #tpu.memory_space<semaphore_mem>>)
    %add3A_114 = arith.constant 64 : i32
    %add3A_115 = arith.addi %add3A, %add3A_114 : i32
    %min3A_116 = arith.constant 249 : i32
    %min3A_117 = arith.minsi %add3A_115, %min3A_116 : i32
    %mul3A_118 = arith.constant 400 : i32
    %mul3A_119 = arith.muli %min3A_117, %mul3A_118 : i32
    %dma_wait3A_120 = arith.constant 0 : i32
    %dma_wait3A_121 = tpu.memref_slice %arg2[%mul3A_119, %dma_wait3A_120] : memref<100000x128xf32, #tpu.memory_space<hbm>> -> memref<400x128xf32, #tpu.memory_space<hbm>>
    %dma_wait3A_122 = arith.constant 0 : i32
    %dma_wait3A_123 = tpu.memref_slice %arg2[%mul3A_119, %dma_wait3A_122] : memref<100000x128xf32, #tpu.memory_space<hbm>> -> memref<400x128xf32, #tpu.memory_space<hbm>>
    tpu.wait_dma2 semaphore(%arg9 : memref<!tpu.dma_semaphore, #tpu.memory_space<semaphore_mem>>) src(%dma_wait3A_123 : memref<400x128xf32, #tpu.memory_space<hbm>>) dst(%arg5 : memref<400x128xf32, #tpu.memory_space<vmem>>)
    %add3A_124 = arith.constant 64 : i32
    %add3A_125 = arith.addi %add3A, %add3A_124 : i32
    %min3A_126 = arith.constant 249 : i32
    %min3A_127 = arith.minsi %add3A_125, %min3A_126 : i32
    %mul3A_128 = arith.constant 400 : i32
    %mul3A_129 = arith.muli %min3A_127, %mul3A_128 : i32
    %broadcast_in_dim3A_130 = vector.broadcast %mul3A_129 : i32 to vector<16xi32>
    %scan3A_131 = arith.constant 0 : i32
    %scan3A_132 = arith.constant 400 : i32
    %scan3A_133 = arith.addi %scan3A_131, %scan3A_132 : i32
    %scan3A_134 = arith.constant 2 : i32
    %scan3A_135:17 = scf.for %scan3A_355 = %scan3A_131 to %scan3A_133 step %scan3A_134 iter_args(%scan3A_356 = %scan3A_102#0, %scan3A_357 = %scan3A_102#1, %scan3A_358 = %scan3A_102#2, %scan3A_359 = %scan3A_102#3, %scan3A_360 = %scan3A_102#4, %scan3A_361 = %scan3A_102#5, %scan3A_362 = %scan3A_102#6, %scan3A_363 = %scan3A_102#7, %scan3A_364 = %scan3A_102#8, %scan3A_365 = %scan3A_102#9, %scan3A_366 = %scan3A_102#10, %scan3A_367 = %scan3A_102#11, %scan3A_368 = %scan3A_102#12, %scan3A_369 = %scan3A_102#13, %scan3A_370 = %scan3A_102#14, %scan3A_371 = %scan3A_102#15, %scan3A_372 = %broadcast_in_dim3A_130) -> (vector<16xf32>, vector<16xf32>, vector<16xf32>, vector<16xf32>, vector<16xf32>, vector<16xf32>, vector<16xf32>, vector<16xf32>, vector<16xi32>, vector<16xi32>, vector<16xi32>, vector<16xi32>, vector<16xi32>, vector<16xi32>, vector<16xi32>, vector<16xi32>, vector<16xi32>)  : i32 {
      %get3A = arith.index_cast %scan3A_355 : i32 to index
      %get3A_373 = arith.constant 0 : index
      %get3A_374 = tpu.vector_load %arg5[%get3A, %get3A_373] {strides = array<i32>} : memref<400x128xf32, #tpu.memory_space<vmem>>, vector<1x16xf32>,
      %get3A_375 = vector.shape_cast %get3A_374 : vector<1x16xf32> to vector<16xf32>
      %gt3A = arith.cmpf ogt, %get3A_375, %scan3A_356 : vector<16xf32>
      %select_n3A = arith.select %gt3A, %get3A_375, %scan3A_356 : vector<16xi1>, vector<16xf32>
      %select_n3A_376 = arith.select %gt3A, %scan3A_372, %scan3A_364 : vector<16xi1>, vector<16xi32>
      %get3A_377 = arith.index_cast %scan3A_355 : i32 to index
      %get3A_378 = arith.constant 16 : index
      %get3A_379 = tpu.vector_load %arg5[%get3A_377, %get3A_378] {strides = array<i32>} : memref<400x128xf32, #tpu.memory_space<vmem>>, vector<1x16xf32>,
      %get3A_380 = vector.shape_cast %get3A_379 : vector<1x16xf32> to vector<16xf32>
      %gt3A_381 = arith.cmpf ogt, %get3A_380, %scan3A_357 : vector<16xf32>
      %select_n3A_382 = arith.select %gt3A_381, %get3A_380, %scan3A_357 : vector<16xi1>, vector<16xf32>
      %select_n3A_383 = arith.select %gt3A_381, %scan3A_372, %scan3A_365 : vector<16xi1>, vector<16xi32>
      %get3A_384 = arith.index_cast %scan3A_355 : i32 to index
      %get3A_385 = arith.constant 32 : index
      %get3A_386 = tpu.vector_load %arg5[%get3A_384, %get3A_385] {strides = array<i32>} : memref<400x128xf32, #tpu.memory_space<vmem>>, vector<1x16xf32>,
      %get3A_387 = vector.shape_cast %get3A_386 : vector<1x16xf32> to vector<16xf32>
      %gt3A_388 = arith.cmpf ogt, %get3A_387, %scan3A_358 : vector<16xf32>
      %select_n3A_389 = arith.select %gt3A_388, %get3A_387, %scan3A_358 : vector<16xi1>, vector<16xf32>
      %select_n3A_390 = arith.select %gt3A_388, %scan3A_372, %scan3A_366 : vector<16xi1>, vector<16xi32>
      %get3A_391 = arith.index_cast %scan3A_355 : i32 to index
      %get3A_392 = arith.constant 48 : index
      %get3A_393 = tpu.vector_load %arg5[%get3A_391, %get3A_392] {strides = array<i32>} : memref<400x128xf32, #tpu.memory_space<vmem>>, vector<1x16xf32>,
      %get3A_394 = vector.shape_cast %get3A_393 : vector<1x16xf32> to vector<16xf32>
      %gt3A_395 = arith.cmpf ogt, %get3A_394, %scan3A_359 : vector<16xf32>
      %select_n3A_396 = arith.select %gt3A_395, %get3A_394, %scan3A_359 : vector<16xi1>, vector<16xf32>
      %select_n3A_397 = arith.select %gt3A_395, %scan3A_372, %scan3A_367 : vector<16xi1>, vector<16xi32>
      %get3A_398 = arith.index_cast %scan3A_355 : i32 to index
      %get3A_399 = arith.constant 64 : index
      %get3A_400 = tpu.vector_load %arg5[%get3A_398, %get3A_399] {strides = array<i32>} : memref<400x128xf32, #tpu.memory_space<vmem>>, vector<1x16xf32>,
      %get3A_401 = vector.shape_cast %get3A_400 : vector<1x16xf32> to vector<16xf32>
      %gt3A_402 = arith.cmpf ogt, %get3A_401, %scan3A_360 : vector<16xf32>
      %select_n3A_403 = arith.select %gt3A_402, %get3A_401, %scan3A_360 : vector<16xi1>, vector<16xf32>
      %select_n3A_404 = arith.select %gt3A_402, %scan3A_372, %scan3A_368 : vector<16xi1>, vector<16xi32>
      %get3A_405 = arith.index_cast %scan3A_355 : i32 to index
      %get3A_406 = arith.constant 80 : index
      %get3A_407 = tpu.vector_load %arg5[%get3A_405, %get3A_406] {strides = array<i32>} : memref<400x128xf32, #tpu.memory_space<vmem>>, vector<1x16xf32>,
      %get3A_408 = vector.shape_cast %get3A_407 : vector<1x16xf32> to vector<16xf32>
      %gt3A_409 = arith.cmpf ogt, %get3A_408, %scan3A_361 : vector<16xf32>
      %select_n3A_410 = arith.select %gt3A_409, %get3A_408, %scan3A_361 : vector<16xi1>, vector<16xf32>
      %select_n3A_411 = arith.select %gt3A_409, %scan3A_372, %scan3A_369 : vector<16xi1>, vector<16xi32>
      %get3A_412 = arith.index_cast %scan3A_355 : i32 to index
      %get3A_413 = arith.constant 96 : index
      %get3A_414 = tpu.vector_load %arg5[%get3A_412, %get3A_413] {strides = array<i32>} : memref<400x128xf32, #tpu.memory_space<vmem>>, vector<1x16xf32>,
      %get3A_415 = vector.shape_cast %get3A_414 : vector<1x16xf32> to vector<16xf32>
      %gt3A_416 = arith.cmpf ogt, %get3A_415, %scan3A_362 : vector<16xf32>
      %select_n3A_417 = arith.select %gt3A_416, %get3A_415, %scan3A_362 : vector<16xi1>, vector<16xf32>
      %select_n3A_418 = arith.select %gt3A_416, %scan3A_372, %scan3A_370 : vector<16xi1>, vector<16xi32>
      %get3A_419 = arith.index_cast %scan3A_355 : i32 to index
      %get3A_420 = arith.constant 112 : index
      %get3A_421 = tpu.vector_load %arg5[%get3A_419, %get3A_420] {strides = array<i32>} : memref<400x128xf32, #tpu.memory_space<vmem>>, vector<1x16xf32>,
      %get3A_422 = vector.shape_cast %get3A_421 : vector<1x16xf32> to vector<16xf32>
      %gt3A_423 = arith.cmpf ogt, %get3A_422, %scan3A_363 : vector<16xf32>
      %select_n3A_424 = arith.select %gt3A_423, %get3A_422, %scan3A_363 : vector<16xi1>, vector<16xf32>
      %select_n3A_425 = arith.select %gt3A_423, %scan3A_372, %scan3A_371 : vector<16xi1>, vector<16xi32>
      %add3A_426 = arith.constant 1 : i32
      %add3A_427 = vector.broadcast %add3A_426 : i32 to vector<16xi32>
      %add3A_428 = arith.addi %scan3A_372, %add3A_427 : vector<16xi32>
      %scan3A_429 = arith.constant 1 : i32
      %scan3A_430 = arith.addi %scan3A_355, %scan3A_429 : i32
      %get3A_431 = arith.index_cast %scan3A_430 : i32 to index
      %get3A_432 = arith.constant 0 : index
      %get3A_433 = tpu.vector_load %arg5[%get3A_431, %get3A_432] {strides = array<i32>} : memref<400x128xf32, #tpu.memory_space<vmem>>, vector<1x16xf32>,
      %get3A_434 = vector.shape_cast %get3A_433 : vector<1x16xf32> to vector<16xf32>
      %gt3A_435 = arith.cmpf ogt, %get3A_434, %select_n3A : vector<16xf32>
      %select_n3A_436 = arith.select %gt3A_435, %get3A_434, %select_n3A : vector<16xi1>, vector<16xf32>
      %select_n3A_437 = arith.select %gt3A_435, %add3A_428, %select_n3A_376 : vector<16xi1>, vector<16xi32>
      %get3A_438 = arith.index_cast %scan3A_430 : i32 to index
      %get3A_439 = arith.constant 16 : index
      %get3A_440 = tpu.vector_load %arg5[%get3A_438, %get3A_439] {strides = array<i32>} : memref<400x128xf32, #tpu.memory_space<vmem>>, vector<1x16xf32>,
      %get3A_441 = vector.shape_cast %get3A_440 : vector<1x16xf32> to vector<16xf32>
      %gt3A_442 = arith.cmpf ogt, %get3A_441, %select_n3A_382 : vector<16xf32>
      %select_n3A_443 = arith.select %gt3A_442, %get3A_441, %select_n3A_382 : vector<16xi1>, vector<16xf32>
      %select_n3A_444 = arith.select %gt3A_442, %add3A_428, %select_n3A_383 : vector<16xi1>, vector<16xi32>
      %get3A_445 = arith.index_cast %scan3A_430 : i32 to index
      %get3A_446 = arith.constant 32 : index
      %get3A_447 = tpu.vector_load %arg5[%get3A_445, %get3A_446] {strides = array<i32>} : memref<400x128xf32, #tpu.memory_space<vmem>>, vector<1x16xf32>,
      %get3A_448 = vector.shape_cast %get3A_447 : vector<1x16xf32> to vector<16xf32>
      %gt3A_449 = arith.cmpf ogt, %get3A_448, %select_n3A_389 : vector<16xf32>
      %select_n3A_450 = arith.select %gt3A_449, %get3A_448, %select_n3A_389 : vector<16xi1>, vector<16xf32>
      %select_n3A_451 = arith.select %gt3A_449, %add3A_428, %select_n3A_390 : vector<16xi1>, vector<16xi32>
      %get3A_452 = arith.index_cast %scan3A_430 : i32 to index
      %get3A_453 = arith.constant 48 : index
      %get3A_454 = tpu.vector_load %arg5[%get3A_452, %get3A_453] {strides = array<i32>} : memref<400x128xf32, #tpu.memory_space<vmem>>, vector<1x16xf32>,
      %get3A_455 = vector.shape_cast %get3A_454 : vector<1x16xf32> to vector<16xf32>
      %gt3A_456 = arith.cmpf ogt, %get3A_455, %select_n3A_396 : vector<16xf32>
      %select_n3A_457 = arith.select %gt3A_456, %get3A_455, %select_n3A_396 : vector<16xi1>, vector<16xf32>
      %select_n3A_458 = arith.select %gt3A_456, %add3A_428, %select_n3A_397 : vector<16xi1>, vector<16xi32>
      %get3A_459 = arith.index_cast %scan3A_430 : i32 to index
      %get3A_460 = arith.constant 64 : index
      %get3A_461 = tpu.vector_load %arg5[%get3A_459, %get3A_460] {strides = array<i32>} : memref<400x128xf32, #tpu.memory_space<vmem>>, vector<1x16xf32>,
      %get3A_462 = vector.shape_cast %get3A_461 : vector<1x16xf32> to vector<16xf32>
      %gt3A_463 = arith.cmpf ogt, %get3A_462, %select_n3A_403 : vector<16xf32>
      %select_n3A_464 = arith.select %gt3A_463, %get3A_462, %select_n3A_403 : vector<16xi1>, vector<16xf32>
      %select_n3A_465 = arith.select %gt3A_463, %add3A_428, %select_n3A_404 : vector<16xi1>, vector<16xi32>
      %get3A_466 = arith.index_cast %scan3A_430 : i32 to index
      %get3A_467 = arith.constant 80 : index
      %get3A_468 = tpu.vector_load %arg5[%get3A_466, %get3A_467] {strides = array<i32>} : memref<400x128xf32, #tpu.memory_space<vmem>>, vector<1x16xf32>,
      %get3A_469 = vector.shape_cast %get3A_468 : vector<1x16xf32> to vector<16xf32>
      %gt3A_470 = arith.cmpf ogt, %get3A_469, %select_n3A_410 : vector<16xf32>
      %select_n3A_471 = arith.select %gt3A_470, %get3A_469, %select_n3A_410 : vector<16xi1>, vector<16xf32>
      %select_n3A_472 = arith.select %gt3A_470, %add3A_428, %select_n3A_411 : vector<16xi1>, vector<16xi32>
      %get3A_473 = arith.index_cast %scan3A_430 : i32 to index
      %get3A_474 = arith.constant 96 : index
      %get3A_475 = tpu.vector_load %arg5[%get3A_473, %get3A_474] {strides = array<i32>} : memref<400x128xf32, #tpu.memory_space<vmem>>, vector<1x16xf32>,
      %get3A_476 = vector.shape_cast %get3A_475 : vector<1x16xf32> to vector<16xf32>
      %gt3A_477 = arith.cmpf ogt, %get3A_476, %select_n3A_417 : vector<16xf32>
      %select_n3A_478 = arith.select %gt3A_477, %get3A_476, %select_n3A_417 : vector<16xi1>, vector<16xf32>
      %select_n3A_479 = arith.select %gt3A_477, %add3A_428, %select_n3A_418 : vector<16xi1>, vector<16xi32>
      %get3A_480 = arith.index_cast %scan3A_430 : i32 to index
      %get3A_481 = arith.constant 112 : index
      %get3A_482 = tpu.vector_load %arg5[%get3A_480, %get3A_481] {strides = array<i32>} : memref<400x128xf32, #tpu.memory_space<vmem>>, vector<1x16xf32>,
      %get3A_483 = vector.shape_cast %get3A_482 : vector<1x16xf32> to vector<16xf32>
      %gt3A_484 = arith.cmpf ogt, %get3A_483, %select_n3A_424 : vector<16xf32>
      %select_n3A_485 = arith.select %gt3A_484, %get3A_483, %select_n3A_424 : vector<16xi1>, vector<16xf32>
      %select_n3A_486 = arith.select %gt3A_484, %add3A_428, %select_n3A_425 : vector<16xi1>, vector<16xi32>
      %add3A_487 = arith.constant 1 : i32
      %add3A_488 = vector.broadcast %add3A_487 : i32 to vector<16xi32>
      %add3A_489 = arith.addi %add3A_428, %add3A_488 : vector<16xi32>
      scf.yield %select_n3A_436, %select_n3A_443, %select_n3A_450, %select_n3A_457, %select_n3A_464, %select_n3A_471, %select_n3A_478, %select_n3A_485, %select_n3A_437, %select_n3A_444, %select_n3A_451, %select_n3A_458, %select_n3A_465, %select_n3A_472, %select_n3A_479, %select_n3A_486, %add3A_489 : vector<16xf32>, vector<16xf32>, vector<16xf32>, vector<16xf32>, vector<16xf32>, vector<16xf32>, vector<16xf32>, vector<16xf32>, vector<16xi32>, vector<16xi32>, vector<16xi32>, vector<16xi32>, vector<16xi32>, vector<16xi32>, vector<16xi32>, vector<16xi32>, vector<16xi32>
    }
    %scan3A_136 = arith.constant 400 : i32
    %add3A_137 = arith.constant 128 : i32
    %add3A_138 = arith.addi %add3A, %add3A_137 : i32
    %min3A_139 = arith.constant 249 : i32
    %min3A_140 = arith.minsi %add3A_138, %min3A_139 : i32
    %mul3A_141 = arith.constant 400 : i32
    %mul3A_142 = arith.muli %min3A_140, %mul3A_141 : i32
    %dma_start3A_143 = arith.constant 0 : i32
    %dma_start3A_144 = tpu.memref_slice %arg2[%mul3A_142, %dma_start3A_143] : memref<100000x128xf32, #tpu.memory_space<hbm>> -> memref<400x128xf32, #tpu.memory_space<hbm>>
    %dma_start3A_145 = arith.constant 0 : i32
    %dma_start3A_146 = tpu.memref_slice %arg2[%mul3A_142, %dma_start3A_145] : memref<100000x128xf32, #tpu.memory_space<hbm>> -> memref<400x128xf32, #tpu.memory_space<hbm>>
    tpu.enqueue_dma source(%dma_start3A_146 : memref<400x128xf32, #tpu.memory_space<hbm>>) target(%arg5 : memref<400x128xf32, #tpu.memory_space<vmem>>) target_semaphore(%arg9 : memref<!tpu.dma_semaphore, #tpu.memory_space<semaphore_mem>>)
    %add3A_147 = arith.constant 96 : i32
    %add3A_148 = arith.addi %add3A, %add3A_147 : i32
    %min3A_149 = arith.constant 249 : i32
    %min3A_150 = arith.minsi %add3A_148, %min3A_149 : i32
    %mul3A_151 = arith.constant 400 : i32
    %mul3A_152 = arith.muli %min3A_150, %mul3A_151 : i32
    %dma_wait3A_153 = arith.constant 0 : i32
    %dma_wait3A_154 = tpu.memref_slice %arg2[%mul3A_152, %dma_wait3A_153] : memref<100000x128xf32, #tpu.memory_space<hbm>> -> memref<400x128xf32, #tpu.memory_space<hbm>>
    %dma_wait3A_155 = arith.constant 0 : i32
    %dma_wait3A_156 = tpu.memref_slice %arg2[%mul3A_152, %dma_wait3A_155] : memref<100000x128xf32, #tpu.memory_space<hbm>> -> memref<400x128xf32, #tpu.memory_space<hbm>>
    tpu.wait_dma2 semaphore(%arg10 : memref<!tpu.dma_semaphore, #tpu.memory_space<semaphore_mem>>) src(%dma_wait3A_156 : memref<400x128xf32, #tpu.memory_space<hbm>>) dst(%arg6 : memref<400x128xf32, #tpu.memory_space<vmem>>)
    %add3A_157 = arith.constant 96 : i32
    %add3A_158 = arith.addi %add3A, %add3A_157 : i32
    %min3A_159 = arith.constant 249 : i32
    %min3A_160 = arith.minsi %add3A_158, %min3A_159 : i32
    %mul3A_161 = arith.constant 400 : i32
    %mul3A_162 = arith.muli %min3A_160, %mul3A_161 : i32
    %broadcast_in_dim3A_163 = vector.broadcast %mul3A_162 : i32 to vector<16xi32>
    %scan3A_164 = arith.constant 0 : i32
    %scan3A_165 = arith.constant 400 : i32
    %scan3A_166 = arith.addi %scan3A_164, %scan3A_165 : i32
    %scan3A_167 = arith.constant 2 : i32
    %scan3A_168:17 = scf.for %scan3A_355 = %scan3A_164 to %scan3A_166 step %scan3A_167 iter_args(%scan3A_356 = %scan3A_135#0, %scan3A_357 = %scan3A_135#1, %scan3A_358 = %scan3A_135#2, %scan3A_359 = %scan3A_135#3, %scan3A_360 = %scan3A_135#4, %scan3A_361 = %scan3A_135#5, %scan3A_362 = %scan3A_135#6, %scan3A_363 = %scan3A_135#7, %scan3A_364 = %scan3A_135#8, %scan3A_365 = %scan3A_135#9, %scan3A_366 = %scan3A_135#10, %scan3A_367 = %scan3A_135#11, %scan3A_368 = %scan3A_135#12, %scan3A_369 = %scan3A_135#13, %scan3A_370 = %scan3A_135#14, %scan3A_371 = %scan3A_135#15, %scan3A_372 = %broadcast_in_dim3A_163) -> (vector<16xf32>, vector<16xf32>, vector<16xf32>, vector<16xf32>, vector<16xf32>, vector<16xf32>, vector<16xf32>, vector<16xf32>, vector<16xi32>, vector<16xi32>, vector<16xi32>, vector<16xi32>, vector<16xi32>, vector<16xi32>, vector<16xi32>, vector<16xi32>, vector<16xi32>)  : i32 {
      %get3A = arith.index_cast %scan3A_355 : i32 to index
      %get3A_373 = arith.constant 0 : index
      %get3A_374 = tpu.vector_load %arg6[%get3A, %get3A_373] {strides = array<i32>} : memref<400x128xf32, #tpu.memory_space<vmem>>, vector<1x16xf32>,
      %get3A_375 = vector.shape_cast %get3A_374 : vector<1x16xf32> to vector<16xf32>
      %gt3A = arith.cmpf ogt, %get3A_375, %scan3A_356 : vector<16xf32>
      %select_n3A = arith.select %gt3A, %get3A_375, %scan3A_356 : vector<16xi1>, vector<16xf32>
      %select_n3A_376 = arith.select %gt3A, %scan3A_372, %scan3A_364 : vector<16xi1>, vector<16xi32>
      %get3A_377 = arith.index_cast %scan3A_355 : i32 to index
      %get3A_378 = arith.constant 16 : index
      %get3A_379 = tpu.vector_load %arg6[%get3A_377, %get3A_378] {strides = array<i32>} : memref<400x128xf32, #tpu.memory_space<vmem>>, vector<1x16xf32>,
      %get3A_380 = vector.shape_cast %get3A_379 : vector<1x16xf32> to vector<16xf32>
      %gt3A_381 = arith.cmpf ogt, %get3A_380, %scan3A_357 : vector<16xf32>
      %select_n3A_382 = arith.select %gt3A_381, %get3A_380, %scan3A_357 : vector<16xi1>, vector<16xf32>
      %select_n3A_383 = arith.select %gt3A_381, %scan3A_372, %scan3A_365 : vector<16xi1>, vector<16xi32>
      %get3A_384 = arith.index_cast %scan3A_355 : i32 to index
      %get3A_385 = arith.constant 32 : index
      %get3A_386 = tpu.vector_load %arg6[%get3A_384, %get3A_385] {strides = array<i32>} : memref<400x128xf32, #tpu.memory_space<vmem>>, vector<1x16xf32>,
      %get3A_387 = vector.shape_cast %get3A_386 : vector<1x16xf32> to vector<16xf32>
      %gt3A_388 = arith.cmpf ogt, %get3A_387, %scan3A_358 : vector<16xf32>
      %select_n3A_389 = arith.select %gt3A_388, %get3A_387, %scan3A_358 : vector<16xi1>, vector<16xf32>
      %select_n3A_390 = arith.select %gt3A_388, %scan3A_372, %scan3A_366 : vector<16xi1>, vector<16xi32>
      %get3A_391 = arith.index_cast %scan3A_355 : i32 to index
      %get3A_392 = arith.constant 48 : index
      %get3A_393 = tpu.vector_load %arg6[%get3A_391, %get3A_392] {strides = array<i32>} : memref<400x128xf32, #tpu.memory_space<vmem>>, vector<1x16xf32>,
      %get3A_394 = vector.shape_cast %get3A_393 : vector<1x16xf32> to vector<16xf32>
      %gt3A_395 = arith.cmpf ogt, %get3A_394, %scan3A_359 : vector<16xf32>
      %select_n3A_396 = arith.select %gt3A_395, %get3A_394, %scan3A_359 : vector<16xi1>, vector<16xf32>
      %select_n3A_397 = arith.select %gt3A_395, %scan3A_372, %scan3A_367 : vector<16xi1>, vector<16xi32>
      %get3A_398 = arith.index_cast %scan3A_355 : i32 to index
      %get3A_399 = arith.constant 64 : index
      %get3A_400 = tpu.vector_load %arg6[%get3A_398, %get3A_399] {strides = array<i32>} : memref<400x128xf32, #tpu.memory_space<vmem>>, vector<1x16xf32>,
      %get3A_401 = vector.shape_cast %get3A_400 : vector<1x16xf32> to vector<16xf32>
      %gt3A_402 = arith.cmpf ogt, %get3A_401, %scan3A_360 : vector<16xf32>
      %select_n3A_403 = arith.select %gt3A_402, %get3A_401, %scan3A_360 : vector<16xi1>, vector<16xf32>
      %select_n3A_404 = arith.select %gt3A_402, %scan3A_372, %scan3A_368 : vector<16xi1>, vector<16xi32>
      %get3A_405 = arith.index_cast %scan3A_355 : i32 to index
      %get3A_406 = arith.constant 80 : index
      %get3A_407 = tpu.vector_load %arg6[%get3A_405, %get3A_406] {strides = array<i32>} : memref<400x128xf32, #tpu.memory_space<vmem>>, vector<1x16xf32>,
      %get3A_408 = vector.shape_cast %get3A_407 : vector<1x16xf32> to vector<16xf32>
      %gt3A_409 = arith.cmpf ogt, %get3A_408, %scan3A_361 : vector<16xf32>
      %select_n3A_410 = arith.select %gt3A_409, %get3A_408, %scan3A_361 : vector<16xi1>, vector<16xf32>
      %select_n3A_411 = arith.select %gt3A_409, %scan3A_372, %scan3A_369 : vector<16xi1>, vector<16xi32>
      %get3A_412 = arith.index_cast %scan3A_355 : i32 to index
      %get3A_413 = arith.constant 96 : index
      %get3A_414 = tpu.vector_load %arg6[%get3A_412, %get3A_413] {strides = array<i32>} : memref<400x128xf32, #tpu.memory_space<vmem>>, vector<1x16xf32>,
      %get3A_415 = vector.shape_cast %get3A_414 : vector<1x16xf32> to vector<16xf32>
      %gt3A_416 = arith.cmpf ogt, %get3A_415, %scan3A_362 : vector<16xf32>
      %select_n3A_417 = arith.select %gt3A_416, %get3A_415, %scan3A_362 : vector<16xi1>, vector<16xf32>
      %select_n3A_418 = arith.select %gt3A_416, %scan3A_372, %scan3A_370 : vector<16xi1>, vector<16xi32>
      %get3A_419 = arith.index_cast %scan3A_355 : i32 to index
      %get3A_420 = arith.constant 112 : index
      %get3A_421 = tpu.vector_load %arg6[%get3A_419, %get3A_420] {strides = array<i32>} : memref<400x128xf32, #tpu.memory_space<vmem>>, vector<1x16xf32>,
      %get3A_422 = vector.shape_cast %get3A_421 : vector<1x16xf32> to vector<16xf32>
      %gt3A_423 = arith.cmpf ogt, %get3A_422, %scan3A_363 : vector<16xf32>
      %select_n3A_424 = arith.select %gt3A_423, %get3A_422, %scan3A_363 : vector<16xi1>, vector<16xf32>
      %select_n3A_425 = arith.select %gt3A_423, %scan3A_372, %scan3A_371 : vector<16xi1>, vector<16xi32>
      %add3A_426 = arith.constant 1 : i32
      %add3A_427 = vector.broadcast %add3A_426 : i32 to vector<16xi32>
      %add3A_428 = arith.addi %scan3A_372, %add3A_427 : vector<16xi32>
      %scan3A_429 = arith.constant 1 : i32
      %scan3A_430 = arith.addi %scan3A_355, %scan3A_429 : i32
      %get3A_431 = arith.index_cast %scan3A_430 : i32 to index
      %get3A_432 = arith.constant 0 : index
      %get3A_433 = tpu.vector_load %arg6[%get3A_431, %get3A_432] {strides = array<i32>} : memref<400x128xf32, #tpu.memory_space<vmem>>, vector<1x16xf32>,
      %get3A_434 = vector.shape_cast %get3A_433 : vector<1x16xf32> to vector<16xf32>
      %gt3A_435 = arith.cmpf ogt, %get3A_434, %select_n3A : vector<16xf32>
      %select_n3A_436 = arith.select %gt3A_435, %get3A_434, %select_n3A : vector<16xi1>, vector<16xf32>
      %select_n3A_437 = arith.select %gt3A_435, %add3A_428, %select_n3A_376 : vector<16xi1>, vector<16xi32>
      %get3A_438 = arith.index_cast %scan3A_430 : i32 to index
      %get3A_439 = arith.constant 16 : index
      %get3A_440 = tpu.vector_load %arg6[%get3A_438, %get3A_439] {strides = array<i32>} : memref<400x128xf32, #tpu.memory_space<vmem>>, vector<1x16xf32>,
      %get3A_441 = vector.shape_cast %get3A_440 : vector<1x16xf32> to vector<16xf32>
      %gt3A_442 = arith.cmpf ogt, %get3A_441, %select_n3A_382 : vector<16xf32>
      %select_n3A_443 = arith.select %gt3A_442, %get3A_441, %select_n3A_382 : vector<16xi1>, vector<16xf32>
      %select_n3A_444 = arith.select %gt3A_442, %add3A_428, %select_n3A_383 : vector<16xi1>, vector<16xi32>
      %get3A_445 = arith.index_cast %scan3A_430 : i32 to index
      %get3A_446 = arith.constant 32 : index
      %get3A_447 = tpu.vector_load %arg6[%get3A_445, %get3A_446] {strides = array<i32>} : memref<400x128xf32, #tpu.memory_space<vmem>>, vector<1x16xf32>,
      %get3A_448 = vector.shape_cast %get3A_447 : vector<1x16xf32> to vector<16xf32>
      %gt3A_449 = arith.cmpf ogt, %get3A_448, %select_n3A_389 : vector<16xf32>
      %select_n3A_450 = arith.select %gt3A_449, %get3A_448, %select_n3A_389 : vector<16xi1>, vector<16xf32>
      %select_n3A_451 = arith.select %gt3A_449, %add3A_428, %select_n3A_390 : vector<16xi1>, vector<16xi32>
      %get3A_452 = arith.index_cast %scan3A_430 : i32 to index
      %get3A_453 = arith.constant 48 : index
      %get3A_454 = tpu.vector_load %arg6[%get3A_452, %get3A_453] {strides = array<i32>} : memref<400x128xf32, #tpu.memory_space<vmem>>, vector<1x16xf32>,
      %get3A_455 = vector.shape_cast %get3A_454 : vector<1x16xf32> to vector<16xf32>
      %gt3A_456 = arith.cmpf ogt, %get3A_455, %select_n3A_396 : vector<16xf32>
      %select_n3A_457 = arith.select %gt3A_456, %get3A_455, %select_n3A_396 : vector<16xi1>, vector<16xf32>
      %select_n3A_458 = arith.select %gt3A_456, %add3A_428, %select_n3A_397 : vector<16xi1>, vector<16xi32>
      %get3A_459 = arith.index_cast %scan3A_430 : i32 to index
      %get3A_460 = arith.constant 64 : index
      %get3A_461 = tpu.vector_load %arg6[%get3A_459, %get3A_460] {strides = array<i32>} : memref<400x128xf32, #tpu.memory_space<vmem>>, vector<1x16xf32>,
      %get3A_462 = vector.shape_cast %get3A_461 : vector<1x16xf32> to vector<16xf32>
      %gt3A_463 = arith.cmpf ogt, %get3A_462, %select_n3A_403 : vector<16xf32>
      %select_n3A_464 = arith.select %gt3A_463, %get3A_462, %select_n3A_403 : vector<16xi1>, vector<16xf32>
      %select_n3A_465 = arith.select %gt3A_463, %add3A_428, %select_n3A_404 : vector<16xi1>, vector<16xi32>
      %get3A_466 = arith.index_cast %scan3A_430 : i32 to index
      %get3A_467 = arith.constant 80 : index
      %get3A_468 = tpu.vector_load %arg6[%get3A_466, %get3A_467] {strides = array<i32>} : memref<400x128xf32, #tpu.memory_space<vmem>>, vector<1x16xf32>,
      %get3A_469 = vector.shape_cast %get3A_468 : vector<1x16xf32> to vector<16xf32>
      %gt3A_470 = arith.cmpf ogt, %get3A_469, %select_n3A_410 : vector<16xf32>
      %select_n3A_471 = arith.select %gt3A_470, %get3A_469, %select_n3A_410 : vector<16xi1>, vector<16xf32>
      %select_n3A_472 = arith.select %gt3A_470, %add3A_428, %select_n3A_411 : vector<16xi1>, vector<16xi32>
      %get3A_473 = arith.index_cast %scan3A_430 : i32 to index
      %get3A_474 = arith.constant 96 : index
      %get3A_475 = tpu.vector_load %arg6[%get3A_473, %get3A_474] {strides = array<i32>} : memref<400x128xf32, #tpu.memory_space<vmem>>, vector<1x16xf32>,
      %get3A_476 = vector.shape_cast %get3A_475 : vector<1x16xf32> to vector<16xf32>
      %gt3A_477 = arith.cmpf ogt, %get3A_476, %select_n3A_417 : vector<16xf32>
      %select_n3A_478 = arith.select %gt3A_477, %get3A_476, %select_n3A_417 : vector<16xi1>, vector<16xf32>
      %select_n3A_479 = arith.select %gt3A_477, %add3A_428, %select_n3A_418 : vector<16xi1>, vector<16xi32>
      %get3A_480 = arith.index_cast %scan3A_430 : i32 to index
      %get3A_481 = arith.constant 112 : index
      %get3A_482 = tpu.vector_load %arg6[%get3A_480, %get3A_481] {strides = array<i32>} : memref<400x128xf32, #tpu.memory_space<vmem>>, vector<1x16xf32>,
      %get3A_483 = vector.shape_cast %get3A_482 : vector<1x16xf32> to vector<16xf32>
      %gt3A_484 = arith.cmpf ogt, %get3A_483, %select_n3A_424 : vector<16xf32>
      %select_n3A_485 = arith.select %gt3A_484, %get3A_483, %select_n3A_424 : vector<16xi1>, vector<16xf32>
      %select_n3A_486 = arith.select %gt3A_484, %add3A_428, %select_n3A_425 : vector<16xi1>, vector<16xi32>
      %add3A_487 = arith.constant 1 : i32
      %add3A_488 = vector.broadcast %add3A_487 : i32 to vector<16xi32>
      %add3A_489 = arith.addi %add3A_428, %add3A_488 : vector<16xi32>
      scf.yield %select_n3A_436, %select_n3A_443, %select_n3A_450, %select_n3A_457, %select_n3A_464, %select_n3A_471, %select_n3A_478, %select_n3A_485, %select_n3A_437, %select_n3A_444, %select_n3A_451, %select_n3A_458, %select_n3A_465, %select_n3A_472, %select_n3A_479, %select_n3A_486, %add3A_489 : vector<16xf32>, vector<16xf32>, vector<16xf32>, vector<16xf32>, vector<16xf32>, vector<16xf32>, vector<16xf32>, vector<16xf32>, vector<16xi32>, vector<16xi32>, vector<16xi32>, vector<16xi32>, vector<16xi32>, vector<16xi32>, vector<16xi32>, vector<16xi32>, vector<16xi32>
    }
    %scan3A_169 = arith.constant 400 : i32
    %add3A_170 = arith.constant 160 : i32
    %add3A_171 = arith.addi %add3A, %add3A_170 : i32
    %min3A_172 = arith.constant 249 : i32
    %min3A_173 = arith.minsi %add3A_171, %min3A_172 : i32
    %mul3A_174 = arith.constant 400 : i32
    %mul3A_175 = arith.muli %min3A_173, %mul3A_174 : i32
    %dma_start3A_176 = arith.constant 0 : i32
    %dma_start3A_177 = tpu.memref_slice %arg2[%mul3A_175, %dma_start3A_176] : memref<100000x128xf32, #tpu.memory_space<hbm>> -> memref<400x128xf32, #tpu.memory_space<hbm>>
    %dma_start3A_178 = arith.constant 0 : i32
    %dma_start3A_179 = tpu.memref_slice %arg2[%mul3A_175, %dma_start3A_178] : memref<100000x128xf32, #tpu.memory_space<hbm>> -> memref<400x128xf32, #tpu.memory_space<hbm>>
    tpu.enqueue_dma source(%dma_start3A_179 : memref<400x128xf32, #tpu.memory_space<hbm>>) target(%arg6 : memref<400x128xf32, #tpu.memory_space<vmem>>) target_semaphore(%arg10 : memref<!tpu.dma_semaphore, #tpu.memory_space<semaphore_mem>>)
    %add3A_180 = arith.constant 128 : i32
    %add3A_181 = arith.addi %add3A, %add3A_180 : i32
    %min3A_182 = arith.constant 249 : i32
    %min3A_183 = arith.minsi %add3A_181, %min3A_182 : i32
    %mul3A_184 = arith.constant 400 : i32
    %mul3A_185 = arith.muli %min3A_183, %mul3A_184 : i32
    %dma_wait3A_186 = arith.constant 0 : i32
    %dma_wait3A_187 = tpu.memref_slice %arg2[%mul3A_185, %dma_wait3A_186] : memref<100000x128xf32, #tpu.memory_space<hbm>> -> memref<400x128xf32, #tpu.memory_space<hbm>>
    %dma_wait3A_188 = arith.constant 0 : i32
    %dma_wait3A_189 = tpu.memref_slice %arg2[%mul3A_185, %dma_wait3A_188] : memref<100000x128xf32, #tpu.memory_space<hbm>> -> memref<400x128xf32, #tpu.memory_space<hbm>>
    tpu.wait_dma2 semaphore(%arg9 : memref<!tpu.dma_semaphore, #tpu.memory_space<semaphore_mem>>) src(%dma_wait3A_189 : memref<400x128xf32, #tpu.memory_space<hbm>>) dst(%arg5 : memref<400x128xf32, #tpu.memory_space<vmem>>)
    %add3A_190 = arith.constant 128 : i32
    %add3A_191 = arith.addi %add3A, %add3A_190 : i32
    %min3A_192 = arith.constant 249 : i32
    %min3A_193 = arith.minsi %add3A_191, %min3A_192 : i32
    %mul3A_194 = arith.constant 400 : i32
    %mul3A_195 = arith.muli %min3A_193, %mul3A_194 : i32
    %broadcast_in_dim3A_196 = vector.broadcast %mul3A_195 : i32 to vector<16xi32>
    %scan3A_197 = arith.constant 0 : i32
    %scan3A_198 = arith.constant 400 : i32
    %scan3A_199 = arith.addi %scan3A_197, %scan3A_198 : i32
    %scan3A_200 = arith.constant 2 : i32
    %scan3A_201:17 = scf.for %scan3A_355 = %scan3A_197 to %scan3A_199 step %scan3A_200 iter_args(%scan3A_356 = %scan3A_168#0, %scan3A_357 = %scan3A_168#1, %scan3A_358 = %scan3A_168#2, %scan3A_359 = %scan3A_168#3, %scan3A_360 = %scan3A_168#4, %scan3A_361 = %scan3A_168#5, %scan3A_362 = %scan3A_168#6, %scan3A_363 = %scan3A_168#7, %scan3A_364 = %scan3A_168#8, %scan3A_365 = %scan3A_168#9, %scan3A_366 = %scan3A_168#10, %scan3A_367 = %scan3A_168#11, %scan3A_368 = %scan3A_168#12, %scan3A_369 = %scan3A_168#13, %scan3A_370 = %scan3A_168#14, %scan3A_371 = %scan3A_168#15, %scan3A_372 = %broadcast_in_dim3A_196) -> (vector<16xf32>, vector<16xf32>, vector<16xf32>, vector<16xf32>, vector<16xf32>, vector<16xf32>, vector<16xf32>, vector<16xf32>, vector<16xi32>, vector<16xi32>, vector<16xi32>, vector<16xi32>, vector<16xi32>, vector<16xi32>, vector<16xi32>, vector<16xi32>, vector<16xi32>)  : i32 {
      %get3A = arith.index_cast %scan3A_355 : i32 to index
      %get3A_373 = arith.constant 0 : index
      %get3A_374 = tpu.vector_load %arg5[%get3A, %get3A_373] {strides = array<i32>} : memref<400x128xf32, #tpu.memory_space<vmem>>, vector<1x16xf32>,
      %get3A_375 = vector.shape_cast %get3A_374 : vector<1x16xf32> to vector<16xf32>
      %gt3A = arith.cmpf ogt, %get3A_375, %scan3A_356 : vector<16xf32>
      %select_n3A = arith.select %gt3A, %get3A_375, %scan3A_356 : vector<16xi1>, vector<16xf32>
      %select_n3A_376 = arith.select %gt3A, %scan3A_372, %scan3A_364 : vector<16xi1>, vector<16xi32>
      %get3A_377 = arith.index_cast %scan3A_355 : i32 to index
      %get3A_378 = arith.constant 16 : index
      %get3A_379 = tpu.vector_load %arg5[%get3A_377, %get3A_378] {strides = array<i32>} : memref<400x128xf32, #tpu.memory_space<vmem>>, vector<1x16xf32>,
      %get3A_380 = vector.shape_cast %get3A_379 : vector<1x16xf32> to vector<16xf32>
      %gt3A_381 = arith.cmpf ogt, %get3A_380, %scan3A_357 : vector<16xf32>
      %select_n3A_382 = arith.select %gt3A_381, %get3A_380, %scan3A_357 : vector<16xi1>, vector<16xf32>
      %select_n3A_383 = arith.select %gt3A_381, %scan3A_372, %scan3A_365 : vector<16xi1>, vector<16xi32>
      %get3A_384 = arith.index_cast %scan3A_355 : i32 to index
      %get3A_385 = arith.constant 32 : index
      %get3A_386 = tpu.vector_load %arg5[%get3A_384, %get3A_385] {strides = array<i32>} : memref<400x128xf32, #tpu.memory_space<vmem>>, vector<1x16xf32>,
      %get3A_387 = vector.shape_cast %get3A_386 : vector<1x16xf32> to vector<16xf32>
      %gt3A_388 = arith.cmpf ogt, %get3A_387, %scan3A_358 : vector<16xf32>
      %select_n3A_389 = arith.select %gt3A_388, %get3A_387, %scan3A_358 : vector<16xi1>, vector<16xf32>
      %select_n3A_390 = arith.select %gt3A_388, %scan3A_372, %scan3A_366 : vector<16xi1>, vector<16xi32>
      %get3A_391 = arith.index_cast %scan3A_355 : i32 to index
      %get3A_392 = arith.constant 48 : index
      %get3A_393 = tpu.vector_load %arg5[%get3A_391, %get3A_392] {strides = array<i32>} : memref<400x128xf32, #tpu.memory_space<vmem>>, vector<1x16xf32>,
      %get3A_394 = vector.shape_cast %get3A_393 : vector<1x16xf32> to vector<16xf32>
      %gt3A_395 = arith.cmpf ogt, %get3A_394, %scan3A_359 : vector<16xf32>
      %select_n3A_396 = arith.select %gt3A_395, %get3A_394, %scan3A_359 : vector<16xi1>, vector<16xf32>
      %select_n3A_397 = arith.select %gt3A_395, %scan3A_372, %scan3A_367 : vector<16xi1>, vector<16xi32>
      %get3A_398 = arith.index_cast %scan3A_355 : i32 to index
      %get3A_399 = arith.constant 64 : index
      %get3A_400 = tpu.vector_load %arg5[%get3A_398, %get3A_399] {strides = array<i32>} : memref<400x128xf32, #tpu.memory_space<vmem>>, vector<1x16xf32>,
      %get3A_401 = vector.shape_cast %get3A_400 : vector<1x16xf32> to vector<16xf32>
      %gt3A_402 = arith.cmpf ogt, %get3A_401, %scan3A_360 : vector<16xf32>
      %select_n3A_403 = arith.select %gt3A_402, %get3A_401, %scan3A_360 : vector<16xi1>, vector<16xf32>
      %select_n3A_404 = arith.select %gt3A_402, %scan3A_372, %scan3A_368 : vector<16xi1>, vector<16xi32>
      %get3A_405 = arith.index_cast %scan3A_355 : i32 to index
      %get3A_406 = arith.constant 80 : index
      %get3A_407 = tpu.vector_load %arg5[%get3A_405, %get3A_406] {strides = array<i32>} : memref<400x128xf32, #tpu.memory_space<vmem>>, vector<1x16xf32>,
      %get3A_408 = vector.shape_cast %get3A_407 : vector<1x16xf32> to vector<16xf32>
      %gt3A_409 = arith.cmpf ogt, %get3A_408, %scan3A_361 : vector<16xf32>
      %select_n3A_410 = arith.select %gt3A_409, %get3A_408, %scan3A_361 : vector<16xi1>, vector<16xf32>
      %select_n3A_411 = arith.select %gt3A_409, %scan3A_372, %scan3A_369 : vector<16xi1>, vector<16xi32>
      %get3A_412 = arith.index_cast %scan3A_355 : i32 to index
      %get3A_413 = arith.constant 96 : index
      %get3A_414 = tpu.vector_load %arg5[%get3A_412, %get3A_413] {strides = array<i32>} : memref<400x128xf32, #tpu.memory_space<vmem>>, vector<1x16xf32>,
      %get3A_415 = vector.shape_cast %get3A_414 : vector<1x16xf32> to vector<16xf32>
      %gt3A_416 = arith.cmpf ogt, %get3A_415, %scan3A_362 : vector<16xf32>
      %select_n3A_417 = arith.select %gt3A_416, %get3A_415, %scan3A_362 : vector<16xi1>, vector<16xf32>
      %select_n3A_418 = arith.select %gt3A_416, %scan3A_372, %scan3A_370 : vector<16xi1>, vector<16xi32>
      %get3A_419 = arith.index_cast %scan3A_355 : i32 to index
      %get3A_420 = arith.constant 112 : index
      %get3A_421 = tpu.vector_load %arg5[%get3A_419, %get3A_420] {strides = array<i32>} : memref<400x128xf32, #tpu.memory_space<vmem>>, vector<1x16xf32>,
      %get3A_422 = vector.shape_cast %get3A_421 : vector<1x16xf32> to vector<16xf32>
      %gt3A_423 = arith.cmpf ogt, %get3A_422, %scan3A_363 : vector<16xf32>
      %select_n3A_424 = arith.select %gt3A_423, %get3A_422, %scan3A_363 : vector<16xi1>, vector<16xf32>
      %select_n3A_425 = arith.select %gt3A_423, %scan3A_372, %scan3A_371 : vector<16xi1>, vector<16xi32>
      %add3A_426 = arith.constant 1 : i32
      %add3A_427 = vector.broadcast %add3A_426 : i32 to vector<16xi32>
      %add3A_428 = arith.addi %scan3A_372, %add3A_427 : vector<16xi32>
      %scan3A_429 = arith.constant 1 : i32
      %scan3A_430 = arith.addi %scan3A_355, %scan3A_429 : i32
      %get3A_431 = arith.index_cast %scan3A_430 : i32 to index
      %get3A_432 = arith.constant 0 : index
      %get3A_433 = tpu.vector_load %arg5[%get3A_431, %get3A_432] {strides = array<i32>} : memref<400x128xf32, #tpu.memory_space<vmem>>, vector<1x16xf32>,
      %get3A_434 = vector.shape_cast %get3A_433 : vector<1x16xf32> to vector<16xf32>
      %gt3A_435 = arith.cmpf ogt, %get3A_434, %select_n3A : vector<16xf32>
      %select_n3A_436 = arith.select %gt3A_435, %get3A_434, %select_n3A : vector<16xi1>, vector<16xf32>
      %select_n3A_437 = arith.select %gt3A_435, %add3A_428, %select_n3A_376 : vector<16xi1>, vector<16xi32>
      %get3A_438 = arith.index_cast %scan3A_430 : i32 to index
      %get3A_439 = arith.constant 16 : index
      %get3A_440 = tpu.vector_load %arg5[%get3A_438, %get3A_439] {strides = array<i32>} : memref<400x128xf32, #tpu.memory_space<vmem>>, vector<1x16xf32>,
      %get3A_441 = vector.shape_cast %get3A_440 : vector<1x16xf32> to vector<16xf32>
      %gt3A_442 = arith.cmpf ogt, %get3A_441, %select_n3A_382 : vector<16xf32>
      %select_n3A_443 = arith.select %gt3A_442, %get3A_441, %select_n3A_382 : vector<16xi1>, vector<16xf32>
      %select_n3A_444 = arith.select %gt3A_442, %add3A_428, %select_n3A_383 : vector<16xi1>, vector<16xi32>
      %get3A_445 = arith.index_cast %scan3A_430 : i32 to index
      %get3A_446 = arith.constant 32 : index
      %get3A_447 = tpu.vector_load %arg5[%get3A_445, %get3A_446] {strides = array<i32>} : memref<400x128xf32, #tpu.memory_space<vmem>>, vector<1x16xf32>,
      %get3A_448 = vector.shape_cast %get3A_447 : vector<1x16xf32> to vector<16xf32>
      %gt3A_449 = arith.cmpf ogt, %get3A_448, %select_n3A_389 : vector<16xf32>
      %select_n3A_450 = arith.select %gt3A_449, %get3A_448, %select_n3A_389 : vector<16xi1>, vector<16xf32>
      %select_n3A_451 = arith.select %gt3A_449, %add3A_428, %select_n3A_390 : vector<16xi1>, vector<16xi32>
      %get3A_452 = arith.index_cast %scan3A_430 : i32 to index
      %get3A_453 = arith.constant 48 : index
      %get3A_454 = tpu.vector_load %arg5[%get3A_452, %get3A_453] {strides = array<i32>} : memref<400x128xf32, #tpu.memory_space<vmem>>, vector<1x16xf32>,
      %get3A_455 = vector.shape_cast %get3A_454 : vector<1x16xf32> to vector<16xf32>
      %gt3A_456 = arith.cmpf ogt, %get3A_455, %select_n3A_396 : vector<16xf32>
      %select_n3A_457 = arith.select %gt3A_456, %get3A_455, %select_n3A_396 : vector<16xi1>, vector<16xf32>
      %select_n3A_458 = arith.select %gt3A_456, %add3A_428, %select_n3A_397 : vector<16xi1>, vector<16xi32>
      %get3A_459 = arith.index_cast %scan3A_430 : i32 to index
      %get3A_460 = arith.constant 64 : index
      %get3A_461 = tpu.vector_load %arg5[%get3A_459, %get3A_460] {strides = array<i32>} : memref<400x128xf32, #tpu.memory_space<vmem>>, vector<1x16xf32>,
      %get3A_462 = vector.shape_cast %get3A_461 : vector<1x16xf32> to vector<16xf32>
      %gt3A_463 = arith.cmpf ogt, %get3A_462, %select_n3A_403 : vector<16xf32>
      %select_n3A_464 = arith.select %gt3A_463, %get3A_462, %select_n3A_403 : vector<16xi1>, vector<16xf32>
      %select_n3A_465 = arith.select %gt3A_463, %add3A_428, %select_n3A_404 : vector<16xi1>, vector<16xi32>
      %get3A_466 = arith.index_cast %scan3A_430 : i32 to index
      %get3A_467 = arith.constant 80 : index
      %get3A_468 = tpu.vector_load %arg5[%get3A_466, %get3A_467] {strides = array<i32>} : memref<400x128xf32, #tpu.memory_space<vmem>>, vector<1x16xf32>,
      %get3A_469 = vector.shape_cast %get3A_468 : vector<1x16xf32> to vector<16xf32>
      %gt3A_470 = arith.cmpf ogt, %get3A_469, %select_n3A_410 : vector<16xf32>
      %select_n3A_471 = arith.select %gt3A_470, %get3A_469, %select_n3A_410 : vector<16xi1>, vector<16xf32>
      %select_n3A_472 = arith.select %gt3A_470, %add3A_428, %select_n3A_411 : vector<16xi1>, vector<16xi32>
      %get3A_473 = arith.index_cast %scan3A_430 : i32 to index
      %get3A_474 = arith.constant 96 : index
      %get3A_475 = tpu.vector_load %arg5[%get3A_473, %get3A_474] {strides = array<i32>} : memref<400x128xf32, #tpu.memory_space<vmem>>, vector<1x16xf32>,
      %get3A_476 = vector.shape_cast %get3A_475 : vector<1x16xf32> to vector<16xf32>
      %gt3A_477 = arith.cmpf ogt, %get3A_476, %select_n3A_417 : vector<16xf32>
      %select_n3A_478 = arith.select %gt3A_477, %get3A_476, %select_n3A_417 : vector<16xi1>, vector<16xf32>
      %select_n3A_479 = arith.select %gt3A_477, %add3A_428, %select_n3A_418 : vector<16xi1>, vector<16xi32>
      %get3A_480 = arith.index_cast %scan3A_430 : i32 to index
      %get3A_481 = arith.constant 112 : index
      %get3A_482 = tpu.vector_load %arg5[%get3A_480, %get3A_481] {strides = array<i32>} : memref<400x128xf32, #tpu.memory_space<vmem>>, vector<1x16xf32>,
      %get3A_483 = vector.shape_cast %get3A_482 : vector<1x16xf32> to vector<16xf32>
      %gt3A_484 = arith.cmpf ogt, %get3A_483, %select_n3A_424 : vector<16xf32>
      %select_n3A_485 = arith.select %gt3A_484, %get3A_483, %select_n3A_424 : vector<16xi1>, vector<16xf32>
      %select_n3A_486 = arith.select %gt3A_484, %add3A_428, %select_n3A_425 : vector<16xi1>, vector<16xi32>
      %add3A_487 = arith.constant 1 : i32
      %add3A_488 = vector.broadcast %add3A_487 : i32 to vector<16xi32>
      %add3A_489 = arith.addi %add3A_428, %add3A_488 : vector<16xi32>
      scf.yield %select_n3A_436, %select_n3A_443, %select_n3A_450, %select_n3A_457, %select_n3A_464, %select_n3A_471, %select_n3A_478, %select_n3A_485, %select_n3A_437, %select_n3A_444, %select_n3A_451, %select_n3A_458, %select_n3A_465, %select_n3A_472, %select_n3A_479, %select_n3A_486, %add3A_489 : vector<16xf32>, vector<16xf32>, vector<16xf32>, vector<16xf32>, vector<16xf32>, vector<16xf32>, vector<16xf32>, vector<16xf32>, vector<16xi32>, vector<16xi32>, vector<16xi32>, vector<16xi32>, vector<16xi32>, vector<16xi32>, vector<16xi32>, vector<16xi32>, vector<16xi32>
    }
    %scan3A_202 = arith.constant 400 : i32
    %add3A_203 = arith.constant 192 : i32
    %add3A_204 = arith.addi %add3A, %add3A_203 : i32
    %min3A_205 = arith.constant 249 : i32
    %min3A_206 = arith.minsi %add3A_204, %min3A_205 : i32
    %mul3A_207 = arith.constant 400 : i32
    %mul3A_208 = arith.muli %min3A_206, %mul3A_207 : i32
    %dma_start3A_209 = arith.constant 0 : i32
    %dma_start3A_210 = tpu.memref_slice %arg2[%mul3A_208, %dma_start3A_209] : memref<100000x128xf32, #tpu.memory_space<hbm>> -> memref<400x128xf32, #tpu.memory_space<hbm>>
    %dma_start3A_211 = arith.constant 0 : i32
    %dma_start3A_212 = tpu.memref_slice %arg2[%mul3A_208, %dma_start3A_211] : memref<100000x128xf32, #tpu.memory_space<hbm>> -> memref<400x128xf32, #tpu.memory_space<hbm>>
    tpu.enqueue_dma source(%dma_start3A_212 : memref<400x128xf32, #tpu.memory_space<hbm>>) target(%arg5 : memref<400x128xf32, #tpu.memory_space<vmem>>) target_semaphore(%arg9 : memref<!tpu.dma_semaphore, #tpu.memory_space<semaphore_mem>>)
    %add3A_213 = arith.constant 160 : i32
    %add3A_214 = arith.addi %add3A, %add3A_213 : i32
    %min3A_215 = arith.constant 249 : i32
    %min3A_216 = arith.minsi %add3A_214, %min3A_215 : i32
    %mul3A_217 = arith.constant 400 : i32
    %mul3A_218 = arith.muli %min3A_216, %mul3A_217 : i32
    %dma_wait3A_219 = arith.constant 0 : i32
    %dma_wait3A_220 = tpu.memref_slice %arg2[%mul3A_218, %dma_wait3A_219] : memref<100000x128xf32, #tpu.memory_space<hbm>> -> memref<400x128xf32, #tpu.memory_space<hbm>>
    %dma_wait3A_221 = arith.constant 0 : i32
    %dma_wait3A_222 = tpu.memref_slice %arg2[%mul3A_218, %dma_wait3A_221] : memref<100000x128xf32, #tpu.memory_space<hbm>> -> memref<400x128xf32, #tpu.memory_space<hbm>>
    tpu.wait_dma2 semaphore(%arg10 : memref<!tpu.dma_semaphore, #tpu.memory_space<semaphore_mem>>) src(%dma_wait3A_222 : memref<400x128xf32, #tpu.memory_space<hbm>>) dst(%arg6 : memref<400x128xf32, #tpu.memory_space<vmem>>)
    %add3A_223 = arith.constant 160 : i32
    %add3A_224 = arith.addi %add3A, %add3A_223 : i32
    %min3A_225 = arith.constant 249 : i32
    %min3A_226 = arith.minsi %add3A_224, %min3A_225 : i32
    %mul3A_227 = arith.constant 400 : i32
    %mul3A_228 = arith.muli %min3A_226, %mul3A_227 : i32
    %broadcast_in_dim3A_229 = vector.broadcast %mul3A_228 : i32 to vector<16xi32>
    %scan3A_230 = arith.constant 0 : i32
    %scan3A_231 = arith.constant 400 : i32
    %scan3A_232 = arith.addi %scan3A_230, %scan3A_231 : i32
    %scan3A_233 = arith.constant 2 : i32
    %scan3A_234:17 = scf.for %scan3A_355 = %scan3A_230 to %scan3A_232 step %scan3A_233 iter_args(%scan3A_356 = %scan3A_201#0, %scan3A_357 = %scan3A_201#1, %scan3A_358 = %scan3A_201#2, %scan3A_359 = %scan3A_201#3, %scan3A_360 = %scan3A_201#4, %scan3A_361 = %scan3A_201#5, %scan3A_362 = %scan3A_201#6, %scan3A_363 = %scan3A_201#7, %scan3A_364 = %scan3A_201#8, %scan3A_365 = %scan3A_201#9, %scan3A_366 = %scan3A_201#10, %scan3A_367 = %scan3A_201#11, %scan3A_368 = %scan3A_201#12, %scan3A_369 = %scan3A_201#13, %scan3A_370 = %scan3A_201#14, %scan3A_371 = %scan3A_201#15, %scan3A_372 = %broadcast_in_dim3A_229) -> (vector<16xf32>, vector<16xf32>, vector<16xf32>, vector<16xf32>, vector<16xf32>, vector<16xf32>, vector<16xf32>, vector<16xf32>, vector<16xi32>, vector<16xi32>, vector<16xi32>, vector<16xi32>, vector<16xi32>, vector<16xi32>, vector<16xi32>, vector<16xi32>, vector<16xi32>)  : i32 {
      %get3A = arith.index_cast %scan3A_355 : i32 to index
      %get3A_373 = arith.constant 0 : index
      %get3A_374 = tpu.vector_load %arg6[%get3A, %get3A_373] {strides = array<i32>} : memref<400x128xf32, #tpu.memory_space<vmem>>, vector<1x16xf32>,
      %get3A_375 = vector.shape_cast %get3A_374 : vector<1x16xf32> to vector<16xf32>
      %gt3A = arith.cmpf ogt, %get3A_375, %scan3A_356 : vector<16xf32>
      %select_n3A = arith.select %gt3A, %get3A_375, %scan3A_356 : vector<16xi1>, vector<16xf32>
      %select_n3A_376 = arith.select %gt3A, %scan3A_372, %scan3A_364 : vector<16xi1>, vector<16xi32>
      %get3A_377 = arith.index_cast %scan3A_355 : i32 to index
      %get3A_378 = arith.constant 16 : index
      %get3A_379 = tpu.vector_load %arg6[%get3A_377, %get3A_378] {strides = array<i32>} : memref<400x128xf32, #tpu.memory_space<vmem>>, vector<1x16xf32>,
      %get3A_380 = vector.shape_cast %get3A_379 : vector<1x16xf32> to vector<16xf32>
      %gt3A_381 = arith.cmpf ogt, %get3A_380, %scan3A_357 : vector<16xf32>
      %select_n3A_382 = arith.select %gt3A_381, %get3A_380, %scan3A_357 : vector<16xi1>, vector<16xf32>
      %select_n3A_383 = arith.select %gt3A_381, %scan3A_372, %scan3A_365 : vector<16xi1>, vector<16xi32>
      %get3A_384 = arith.index_cast %scan3A_355 : i32 to index
      %get3A_385 = arith.constant 32 : index
      %get3A_386 = tpu.vector_load %arg6[%get3A_384, %get3A_385] {strides = array<i32>} : memref<400x128xf32, #tpu.memory_space<vmem>>, vector<1x16xf32>,
      %get3A_387 = vector.shape_cast %get3A_386 : vector<1x16xf32> to vector<16xf32>
      %gt3A_388 = arith.cmpf ogt, %get3A_387, %scan3A_358 : vector<16xf32>
      %select_n3A_389 = arith.select %gt3A_388, %get3A_387, %scan3A_358 : vector<16xi1>, vector<16xf32>
      %select_n3A_390 = arith.select %gt3A_388, %scan3A_372, %scan3A_366 : vector<16xi1>, vector<16xi32>
      %get3A_391 = arith.index_cast %scan3A_355 : i32 to index
      %get3A_392 = arith.constant 48 : index
      %get3A_393 = tpu.vector_load %arg6[%get3A_391, %get3A_392] {strides = array<i32>} : memref<400x128xf32, #tpu.memory_space<vmem>>, vector<1x16xf32>,
      %get3A_394 = vector.shape_cast %get3A_393 : vector<1x16xf32> to vector<16xf32>
      %gt3A_395 = arith.cmpf ogt, %get3A_394, %scan3A_359 : vector<16xf32>
      %select_n3A_396 = arith.select %gt3A_395, %get3A_394, %scan3A_359 : vector<16xi1>, vector<16xf32>
      %select_n3A_397 = arith.select %gt3A_395, %scan3A_372, %scan3A_367 : vector<16xi1>, vector<16xi32>
      %get3A_398 = arith.index_cast %scan3A_355 : i32 to index
      %get3A_399 = arith.constant 64 : index
      %get3A_400 = tpu.vector_load %arg6[%get3A_398, %get3A_399] {strides = array<i32>} : memref<400x128xf32, #tpu.memory_space<vmem>>, vector<1x16xf32>,
      %get3A_401 = vector.shape_cast %get3A_400 : vector<1x16xf32> to vector<16xf32>
      %gt3A_402 = arith.cmpf ogt, %get3A_401, %scan3A_360 : vector<16xf32>
      %select_n3A_403 = arith.select %gt3A_402, %get3A_401, %scan3A_360 : vector<16xi1>, vector<16xf32>
      %select_n3A_404 = arith.select %gt3A_402, %scan3A_372, %scan3A_368 : vector<16xi1>, vector<16xi32>
      %get3A_405 = arith.index_cast %scan3A_355 : i32 to index
      %get3A_406 = arith.constant 80 : index
      %get3A_407 = tpu.vector_load %arg6[%get3A_405, %get3A_406] {strides = array<i32>} : memref<400x128xf32, #tpu.memory_space<vmem>>, vector<1x16xf32>,
      %get3A_408 = vector.shape_cast %get3A_407 : vector<1x16xf32> to vector<16xf32>
      %gt3A_409 = arith.cmpf ogt, %get3A_408, %scan3A_361 : vector<16xf32>
      %select_n3A_410 = arith.select %gt3A_409, %get3A_408, %scan3A_361 : vector<16xi1>, vector<16xf32>
      %select_n3A_411 = arith.select %gt3A_409, %scan3A_372, %scan3A_369 : vector<16xi1>, vector<16xi32>
      %get3A_412 = arith.index_cast %scan3A_355 : i32 to index
      %get3A_413 = arith.constant 96 : index
      %get3A_414 = tpu.vector_load %arg6[%get3A_412, %get3A_413] {strides = array<i32>} : memref<400x128xf32, #tpu.memory_space<vmem>>, vector<1x16xf32>,
      %get3A_415 = vector.shape_cast %get3A_414 : vector<1x16xf32> to vector<16xf32>
      %gt3A_416 = arith.cmpf ogt, %get3A_415, %scan3A_362 : vector<16xf32>
      %select_n3A_417 = arith.select %gt3A_416, %get3A_415, %scan3A_362 : vector<16xi1>, vector<16xf32>
      %select_n3A_418 = arith.select %gt3A_416, %scan3A_372, %scan3A_370 : vector<16xi1>, vector<16xi32>
      %get3A_419 = arith.index_cast %scan3A_355 : i32 to index
      %get3A_420 = arith.constant 112 : index
      %get3A_421 = tpu.vector_load %arg6[%get3A_419, %get3A_420] {strides = array<i32>} : memref<400x128xf32, #tpu.memory_space<vmem>>, vector<1x16xf32>,
      %get3A_422 = vector.shape_cast %get3A_421 : vector<1x16xf32> to vector<16xf32>
      %gt3A_423 = arith.cmpf ogt, %get3A_422, %scan3A_363 : vector<16xf32>
      %select_n3A_424 = arith.select %gt3A_423, %get3A_422, %scan3A_363 : vector<16xi1>, vector<16xf32>
      %select_n3A_425 = arith.select %gt3A_423, %scan3A_372, %scan3A_371 : vector<16xi1>, vector<16xi32>
      %add3A_426 = arith.constant 1 : i32
      %add3A_427 = vector.broadcast %add3A_426 : i32 to vector<16xi32>
      %add3A_428 = arith.addi %scan3A_372, %add3A_427 : vector<16xi32>
      %scan3A_429 = arith.constant 1 : i32
      %scan3A_430 = arith.addi %scan3A_355, %scan3A_429 : i32
      %get3A_431 = arith.index_cast %scan3A_430 : i32 to index
      %get3A_432 = arith.constant 0 : index
      %get3A_433 = tpu.vector_load %arg6[%get3A_431, %get3A_432] {strides = array<i32>} : memref<400x128xf32, #tpu.memory_space<vmem>>, vector<1x16xf32>,
      %get3A_434 = vector.shape_cast %get3A_433 : vector<1x16xf32> to vector<16xf32>
      %gt3A_435 = arith.cmpf ogt, %get3A_434, %select_n3A : vector<16xf32>
      %select_n3A_436 = arith.select %gt3A_435, %get3A_434, %select_n3A : vector<16xi1>, vector<16xf32>
      %select_n3A_437 = arith.select %gt3A_435, %add3A_428, %select_n3A_376 : vector<16xi1>, vector<16xi32>
      %get3A_438 = arith.index_cast %scan3A_430 : i32 to index
      %get3A_439 = arith.constant 16 : index
      %get3A_440 = tpu.vector_load %arg6[%get3A_438, %get3A_439] {strides = array<i32>} : memref<400x128xf32, #tpu.memory_space<vmem>>, vector<1x16xf32>,
      %get3A_441 = vector.shape_cast %get3A_440 : vector<1x16xf32> to vector<16xf32>
      %gt3A_442 = arith.cmpf ogt, %get3A_441, %select_n3A_382 : vector<16xf32>
      %select_n3A_443 = arith.select %gt3A_442, %get3A_441, %select_n3A_382 : vector<16xi1>, vector<16xf32>
      %select_n3A_444 = arith.select %gt3A_442, %add3A_428, %select_n3A_383 : vector<16xi1>, vector<16xi32>
      %get3A_445 = arith.index_cast %scan3A_430 : i32 to index
      %get3A_446 = arith.constant 32 : index
      %get3A_447 = tpu.vector_load %arg6[%get3A_445, %get3A_446] {strides = array<i32>} : memref<400x128xf32, #tpu.memory_space<vmem>>, vector<1x16xf32>,
      %get3A_448 = vector.shape_cast %get3A_447 : vector<1x16xf32> to vector<16xf32>
      %gt3A_449 = arith.cmpf ogt, %get3A_448, %select_n3A_389 : vector<16xf32>
      %select_n3A_450 = arith.select %gt3A_449, %get3A_448, %select_n3A_389 : vector<16xi1>, vector<16xf32>
      %select_n3A_451 = arith.select %gt3A_449, %add3A_428, %select_n3A_390 : vector<16xi1>, vector<16xi32>
      %get3A_452 = arith.index_cast %scan3A_430 : i32 to index
      %get3A_453 = arith.constant 48 : index
      %get3A_454 = tpu.vector_load %arg6[%get3A_452, %get3A_453] {strides = array<i32>} : memref<400x128xf32, #tpu.memory_space<vmem>>, vector<1x16xf32>,
      %get3A_455 = vector.shape_cast %get3A_454 : vector<1x16xf32> to vector<16xf32>
      %gt3A_456 = arith.cmpf ogt, %get3A_455, %select_n3A_396 : vector<16xf32>
      %select_n3A_457 = arith.select %gt3A_456, %get3A_455, %select_n3A_396 : vector<16xi1>, vector<16xf32>
      %select_n3A_458 = arith.select %gt3A_456, %add3A_428, %select_n3A_397 : vector<16xi1>, vector<16xi32>
      %get3A_459 = arith.index_cast %scan3A_430 : i32 to index
      %get3A_460 = arith.constant 64 : index
      %get3A_461 = tpu.vector_load %arg6[%get3A_459, %get3A_460] {strides = array<i32>} : memref<400x128xf32, #tpu.memory_space<vmem>>, vector<1x16xf32>,
      %get3A_462 = vector.shape_cast %get3A_461 : vector<1x16xf32> to vector<16xf32>
      %gt3A_463 = arith.cmpf ogt, %get3A_462, %select_n3A_403 : vector<16xf32>
      %select_n3A_464 = arith.select %gt3A_463, %get3A_462, %select_n3A_403 : vector<16xi1>, vector<16xf32>
      %select_n3A_465 = arith.select %gt3A_463, %add3A_428, %select_n3A_404 : vector<16xi1>, vector<16xi32>
      %get3A_466 = arith.index_cast %scan3A_430 : i32 to index
      %get3A_467 = arith.constant 80 : index
      %get3A_468 = tpu.vector_load %arg6[%get3A_466, %get3A_467] {strides = array<i32>} : memref<400x128xf32, #tpu.memory_space<vmem>>, vector<1x16xf32>,
      %get3A_469 = vector.shape_cast %get3A_468 : vector<1x16xf32> to vector<16xf32>
      %gt3A_470 = arith.cmpf ogt, %get3A_469, %select_n3A_410 : vector<16xf32>
      %select_n3A_471 = arith.select %gt3A_470, %get3A_469, %select_n3A_410 : vector<16xi1>, vector<16xf32>
      %select_n3A_472 = arith.select %gt3A_470, %add3A_428, %select_n3A_411 : vector<16xi1>, vector<16xi32>
      %get3A_473 = arith.index_cast %scan3A_430 : i32 to index
      %get3A_474 = arith.constant 96 : index
      %get3A_475 = tpu.vector_load %arg6[%get3A_473, %get3A_474] {strides = array<i32>} : memref<400x128xf32, #tpu.memory_space<vmem>>, vector<1x16xf32>,
      %get3A_476 = vector.shape_cast %get3A_475 : vector<1x16xf32> to vector<16xf32>
      %gt3A_477 = arith.cmpf ogt, %get3A_476, %select_n3A_417 : vector<16xf32>
      %select_n3A_478 = arith.select %gt3A_477, %get3A_476, %select_n3A_417 : vector<16xi1>, vector<16xf32>
      %select_n3A_479 = arith.select %gt3A_477, %add3A_428, %select_n3A_418 : vector<16xi1>, vector<16xi32>
      %get3A_480 = arith.index_cast %scan3A_430 : i32 to index
      %get3A_481 = arith.constant 112 : index
      %get3A_482 = tpu.vector_load %arg6[%get3A_480, %get3A_481] {strides = array<i32>} : memref<400x128xf32, #tpu.memory_space<vmem>>, vector<1x16xf32>,
      %get3A_483 = vector.shape_cast %get3A_482 : vector<1x16xf32> to vector<16xf32>
      %gt3A_484 = arith.cmpf ogt, %get3A_483, %select_n3A_424 : vector<16xf32>
      %select_n3A_485 = arith.select %gt3A_484, %get3A_483, %select_n3A_424 : vector<16xi1>, vector<16xf32>
      %select_n3A_486 = arith.select %gt3A_484, %add3A_428, %select_n3A_425 : vector<16xi1>, vector<16xi32>
      %add3A_487 = arith.constant 1 : i32
      %add3A_488 = vector.broadcast %add3A_487 : i32 to vector<16xi32>
      %add3A_489 = arith.addi %add3A_428, %add3A_488 : vector<16xi32>
      scf.yield %select_n3A_436, %select_n3A_443, %select_n3A_450, %select_n3A_457, %select_n3A_464, %select_n3A_471, %select_n3A_478, %select_n3A_485, %select_n3A_437, %select_n3A_444, %select_n3A_451, %select_n3A_458, %select_n3A_465, %select_n3A_472, %select_n3A_479, %select_n3A_486, %add3A_489 : vector<16xf32>, vector<16xf32>, vector<16xf32>, vector<16xf32>, vector<16xf32>, vector<16xf32>, vector<16xf32>, vector<16xf32>, vector<16xi32>, vector<16xi32>, vector<16xi32>, vector<16xi32>, vector<16xi32>, vector<16xi32>, vector<16xi32>, vector<16xi32>, vector<16xi32>
    }
    %scan3A_235 = arith.constant 400 : i32
    %add3A_236 = arith.constant 224 : i32
    %add3A_237 = arith.addi %add3A, %add3A_236 : i32
    %min3A_238 = arith.constant 249 : i32
    %min3A_239 = arith.minsi %add3A_237, %min3A_238 : i32
    %mul3A_240 = arith.constant 400 : i32
    %mul3A_241 = arith.muli %min3A_239, %mul3A_240 : i32
    %dma_start3A_242 = arith.constant 0 : i32
    %dma_start3A_243 = tpu.memref_slice %arg2[%mul3A_241, %dma_start3A_242] : memref<100000x128xf32, #tpu.memory_space<hbm>> -> memref<400x128xf32, #tpu.memory_space<hbm>>
    %dma_start3A_244 = arith.constant 0 : i32
    %dma_start3A_245 = tpu.memref_slice %arg2[%mul3A_241, %dma_start3A_244] : memref<100000x128xf32, #tpu.memory_space<hbm>> -> memref<400x128xf32, #tpu.memory_space<hbm>>
    tpu.enqueue_dma source(%dma_start3A_245 : memref<400x128xf32, #tpu.memory_space<hbm>>) target(%arg6 : memref<400x128xf32, #tpu.memory_space<vmem>>) target_semaphore(%arg10 : memref<!tpu.dma_semaphore, #tpu.memory_space<semaphore_mem>>)
    %add3A_246 = arith.constant 192 : i32
    %add3A_247 = arith.addi %add3A, %add3A_246 : i32
    %min3A_248 = arith.constant 249 : i32
    %min3A_249 = arith.minsi %add3A_247, %min3A_248 : i32
    %mul3A_250 = arith.constant 400 : i32
    %mul3A_251 = arith.muli %min3A_249, %mul3A_250 : i32
    %dma_wait3A_252 = arith.constant 0 : i32
    %dma_wait3A_253 = tpu.memref_slice %arg2[%mul3A_251, %dma_wait3A_252] : memref<100000x128xf32, #tpu.memory_space<hbm>> -> memref<400x128xf32, #tpu.memory_space<hbm>>
    %dma_wait3A_254 = arith.constant 0 : i32
    %dma_wait3A_255 = tpu.memref_slice %arg2[%mul3A_251, %dma_wait3A_254] : memref<100000x128xf32, #tpu.memory_space<hbm>> -> memref<400x128xf32, #tpu.memory_space<hbm>>
    tpu.wait_dma2 semaphore(%arg9 : memref<!tpu.dma_semaphore, #tpu.memory_space<semaphore_mem>>) src(%dma_wait3A_255 : memref<400x128xf32, #tpu.memory_space<hbm>>) dst(%arg5 : memref<400x128xf32, #tpu.memory_space<vmem>>)
    %add3A_256 = arith.constant 192 : i32
    %add3A_257 = arith.addi %add3A, %add3A_256 : i32
    %min3A_258 = arith.constant 249 : i32
    %min3A_259 = arith.minsi %add3A_257, %min3A_258 : i32
    %mul3A_260 = arith.constant 400 : i32
    %mul3A_261 = arith.muli %min3A_259, %mul3A_260 : i32
    %broadcast_in_dim3A_262 = vector.broadcast %mul3A_261 : i32 to vector<16xi32>
    %scan3A_263 = arith.constant 0 : i32
    %scan3A_264 = arith.constant 400 : i32
    %scan3A_265 = arith.addi %scan3A_263, %scan3A_264 : i32
    %scan3A_266 = arith.constant 2 : i32
    %scan3A_267:17 = scf.for %scan3A_355 = %scan3A_263 to %scan3A_265 step %scan3A_266 iter_args(%scan3A_356 = %scan3A_234#0, %scan3A_357 = %scan3A_234#1, %scan3A_358 = %scan3A_234#2, %scan3A_359 = %scan3A_234#3, %scan3A_360 = %scan3A_234#4, %scan3A_361 = %scan3A_234#5, %scan3A_362 = %scan3A_234#6, %scan3A_363 = %scan3A_234#7, %scan3A_364 = %scan3A_234#8, %scan3A_365 = %scan3A_234#9, %scan3A_366 = %scan3A_234#10, %scan3A_367 = %scan3A_234#11, %scan3A_368 = %scan3A_234#12, %scan3A_369 = %scan3A_234#13, %scan3A_370 = %scan3A_234#14, %scan3A_371 = %scan3A_234#15, %scan3A_372 = %broadcast_in_dim3A_262) -> (vector<16xf32>, vector<16xf32>, vector<16xf32>, vector<16xf32>, vector<16xf32>, vector<16xf32>, vector<16xf32>, vector<16xf32>, vector<16xi32>, vector<16xi32>, vector<16xi32>, vector<16xi32>, vector<16xi32>, vector<16xi32>, vector<16xi32>, vector<16xi32>, vector<16xi32>)  : i32 {
      %get3A = arith.index_cast %scan3A_355 : i32 to index
      %get3A_373 = arith.constant 0 : index
      %get3A_374 = tpu.vector_load %arg5[%get3A, %get3A_373] {strides = array<i32>} : memref<400x128xf32, #tpu.memory_space<vmem>>, vector<1x16xf32>,
      %get3A_375 = vector.shape_cast %get3A_374 : vector<1x16xf32> to vector<16xf32>
      %gt3A = arith.cmpf ogt, %get3A_375, %scan3A_356 : vector<16xf32>
      %select_n3A = arith.select %gt3A, %get3A_375, %scan3A_356 : vector<16xi1>, vector<16xf32>
      %select_n3A_376 = arith.select %gt3A, %scan3A_372, %scan3A_364 : vector<16xi1>, vector<16xi32>
      %get3A_377 = arith.index_cast %scan3A_355 : i32 to index
      %get3A_378 = arith.constant 16 : index
      %get3A_379 = tpu.vector_load %arg5[%get3A_377, %get3A_378] {strides = array<i32>} : memref<400x128xf32, #tpu.memory_space<vmem>>, vector<1x16xf32>,
      %get3A_380 = vector.shape_cast %get3A_379 : vector<1x16xf32> to vector<16xf32>
      %gt3A_381 = arith.cmpf ogt, %get3A_380, %scan3A_357 : vector<16xf32>
      %select_n3A_382 = arith.select %gt3A_381, %get3A_380, %scan3A_357 : vector<16xi1>, vector<16xf32>
      %select_n3A_383 = arith.select %gt3A_381, %scan3A_372, %scan3A_365 : vector<16xi1>, vector<16xi32>
      %get3A_384 = arith.index_cast %scan3A_355 : i32 to index
      %get3A_385 = arith.constant 32 : index
      %get3A_386 = tpu.vector_load %arg5[%get3A_384, %get3A_385] {strides = array<i32>} : memref<400x128xf32, #tpu.memory_space<vmem>>, vector<1x16xf32>,
      %get3A_387 = vector.shape_cast %get3A_386 : vector<1x16xf32> to vector<16xf32>
      %gt3A_388 = arith.cmpf ogt, %get3A_387, %scan3A_358 : vector<16xf32>
      %select_n3A_389 = arith.select %gt3A_388, %get3A_387, %scan3A_358 : vector<16xi1>, vector<16xf32>
      %select_n3A_390 = arith.select %gt3A_388, %scan3A_372, %scan3A_366 : vector<16xi1>, vector<16xi32>
      %get3A_391 = arith.index_cast %scan3A_355 : i32 to index
      %get3A_392 = arith.constant 48 : index
      %get3A_393 = tpu.vector_load %arg5[%get3A_391, %get3A_392] {strides = array<i32>} : memref<400x128xf32, #tpu.memory_space<vmem>>, vector<1x16xf32>,
      %get3A_394 = vector.shape_cast %get3A_393 : vector<1x16xf32> to vector<16xf32>
      %gt3A_395 = arith.cmpf ogt, %get3A_394, %scan3A_359 : vector<16xf32>
      %select_n3A_396 = arith.select %gt3A_395, %get3A_394, %scan3A_359 : vector<16xi1>, vector<16xf32>
      %select_n3A_397 = arith.select %gt3A_395, %scan3A_372, %scan3A_367 : vector<16xi1>, vector<16xi32>
      %get3A_398 = arith.index_cast %scan3A_355 : i32 to index
      %get3A_399 = arith.constant 64 : index
      %get3A_400 = tpu.vector_load %arg5[%get3A_398, %get3A_399] {strides = array<i32>} : memref<400x128xf32, #tpu.memory_space<vmem>>, vector<1x16xf32>,
      %get3A_401 = vector.shape_cast %get3A_400 : vector<1x16xf32> to vector<16xf32>
      %gt3A_402 = arith.cmpf ogt, %get3A_401, %scan3A_360 : vector<16xf32>
      %select_n3A_403 = arith.select %gt3A_402, %get3A_401, %scan3A_360 : vector<16xi1>, vector<16xf32>
      %select_n3A_404 = arith.select %gt3A_402, %scan3A_372, %scan3A_368 : vector<16xi1>, vector<16xi32>
      %get3A_405 = arith.index_cast %scan3A_355 : i32 to index
      %get3A_406 = arith.constant 80 : index
      %get3A_407 = tpu.vector_load %arg5[%get3A_405, %get3A_406] {strides = array<i32>} : memref<400x128xf32, #tpu.memory_space<vmem>>, vector<1x16xf32>,
      %get3A_408 = vector.shape_cast %get3A_407 : vector<1x16xf32> to vector<16xf32>
      %gt3A_409 = arith.cmpf ogt, %get3A_408, %scan3A_361 : vector<16xf32>
      %select_n3A_410 = arith.select %gt3A_409, %get3A_408, %scan3A_361 : vector<16xi1>, vector<16xf32>
      %select_n3A_411 = arith.select %gt3A_409, %scan3A_372, %scan3A_369 : vector<16xi1>, vector<16xi32>
      %get3A_412 = arith.index_cast %scan3A_355 : i32 to index
      %get3A_413 = arith.constant 96 : index
      %get3A_414 = tpu.vector_load %arg5[%get3A_412, %get3A_413] {strides = array<i32>} : memref<400x128xf32, #tpu.memory_space<vmem>>, vector<1x16xf32>,
      %get3A_415 = vector.shape_cast %get3A_414 : vector<1x16xf32> to vector<16xf32>
      %gt3A_416 = arith.cmpf ogt, %get3A_415, %scan3A_362 : vector<16xf32>
      %select_n3A_417 = arith.select %gt3A_416, %get3A_415, %scan3A_362 : vector<16xi1>, vector<16xf32>
      %select_n3A_418 = arith.select %gt3A_416, %scan3A_372, %scan3A_370 : vector<16xi1>, vector<16xi32>
      %get3A_419 = arith.index_cast %scan3A_355 : i32 to index
      %get3A_420 = arith.constant 112 : index
      %get3A_421 = tpu.vector_load %arg5[%get3A_419, %get3A_420] {strides = array<i32>} : memref<400x128xf32, #tpu.memory_space<vmem>>, vector<1x16xf32>,
      %get3A_422 = vector.shape_cast %get3A_421 : vector<1x16xf32> to vector<16xf32>
      %gt3A_423 = arith.cmpf ogt, %get3A_422, %scan3A_363 : vector<16xf32>
      %select_n3A_424 = arith.select %gt3A_423, %get3A_422, %scan3A_363 : vector<16xi1>, vector<16xf32>
      %select_n3A_425 = arith.select %gt3A_423, %scan3A_372, %scan3A_371 : vector<16xi1>, vector<16xi32>
      %add3A_426 = arith.constant 1 : i32
      %add3A_427 = vector.broadcast %add3A_426 : i32 to vector<16xi32>
      %add3A_428 = arith.addi %scan3A_372, %add3A_427 : vector<16xi32>
      %scan3A_429 = arith.constant 1 : i32
      %scan3A_430 = arith.addi %scan3A_355, %scan3A_429 : i32
      %get3A_431 = arith.index_cast %scan3A_430 : i32 to index
      %get3A_432 = arith.constant 0 : index
      %get3A_433 = tpu.vector_load %arg5[%get3A_431, %get3A_432] {strides = array<i32>} : memref<400x128xf32, #tpu.memory_space<vmem>>, vector<1x16xf32>,
      %get3A_434 = vector.shape_cast %get3A_433 : vector<1x16xf32> to vector<16xf32>
      %gt3A_435 = arith.cmpf ogt, %get3A_434, %select_n3A : vector<16xf32>
      %select_n3A_436 = arith.select %gt3A_435, %get3A_434, %select_n3A : vector<16xi1>, vector<16xf32>
      %select_n3A_437 = arith.select %gt3A_435, %add3A_428, %select_n3A_376 : vector<16xi1>, vector<16xi32>
      %get3A_438 = arith.index_cast %scan3A_430 : i32 to index
      %get3A_439 = arith.constant 16 : index
      %get3A_440 = tpu.vector_load %arg5[%get3A_438, %get3A_439] {strides = array<i32>} : memref<400x128xf32, #tpu.memory_space<vmem>>, vector<1x16xf32>,
      %get3A_441 = vector.shape_cast %get3A_440 : vector<1x16xf32> to vector<16xf32>
      %gt3A_442 = arith.cmpf ogt, %get3A_441, %select_n3A_382 : vector<16xf32>
      %select_n3A_443 = arith.select %gt3A_442, %get3A_441, %select_n3A_382 : vector<16xi1>, vector<16xf32>
      %select_n3A_444 = arith.select %gt3A_442, %add3A_428, %select_n3A_383 : vector<16xi1>, vector<16xi32>
      %get3A_445 = arith.index_cast %scan3A_430 : i32 to index
      %get3A_446 = arith.constant 32 : index
      %get3A_447 = tpu.vector_load %arg5[%get3A_445, %get3A_446] {strides = array<i32>} : memref<400x128xf32, #tpu.memory_space<vmem>>, vector<1x16xf32>,
      %get3A_448 = vector.shape_cast %get3A_447 : vector<1x16xf32> to vector<16xf32>
      %gt3A_449 = arith.cmpf ogt, %get3A_448, %select_n3A_389 : vector<16xf32>
      %select_n3A_450 = arith.select %gt3A_449, %get3A_448, %select_n3A_389 : vector<16xi1>, vector<16xf32>
      %select_n3A_451 = arith.select %gt3A_449, %add3A_428, %select_n3A_390 : vector<16xi1>, vector<16xi32>
      %get3A_452 = arith.index_cast %scan3A_430 : i32 to index
      %get3A_453 = arith.constant 48 : index
      %get3A_454 = tpu.vector_load %arg5[%get3A_452, %get3A_453] {strides = array<i32>} : memref<400x128xf32, #tpu.memory_space<vmem>>, vector<1x16xf32>,
      %get3A_455 = vector.shape_cast %get3A_454 : vector<1x16xf32> to vector<16xf32>
      %gt3A_456 = arith.cmpf ogt, %get3A_455, %select_n3A_396 : vector<16xf32>
      %select_n3A_457 = arith.select %gt3A_456, %get3A_455, %select_n3A_396 : vector<16xi1>, vector<16xf32>
      %select_n3A_458 = arith.select %gt3A_456, %add3A_428, %select_n3A_397 : vector<16xi1>, vector<16xi32>
      %get3A_459 = arith.index_cast %scan3A_430 : i32 to index
      %get3A_460 = arith.constant 64 : index
      %get3A_461 = tpu.vector_load %arg5[%get3A_459, %get3A_460] {strides = array<i32>} : memref<400x128xf32, #tpu.memory_space<vmem>>, vector<1x16xf32>,
      %get3A_462 = vector.shape_cast %get3A_461 : vector<1x16xf32> to vector<16xf32>
      %gt3A_463 = arith.cmpf ogt, %get3A_462, %select_n3A_403 : vector<16xf32>
      %select_n3A_464 = arith.select %gt3A_463, %get3A_462, %select_n3A_403 : vector<16xi1>, vector<16xf32>
      %select_n3A_465 = arith.select %gt3A_463, %add3A_428, %select_n3A_404 : vector<16xi1>, vector<16xi32>
      %get3A_466 = arith.index_cast %scan3A_430 : i32 to index
      %get3A_467 = arith.constant 80 : index
      %get3A_468 = tpu.vector_load %arg5[%get3A_466, %get3A_467] {strides = array<i32>} : memref<400x128xf32, #tpu.memory_space<vmem>>, vector<1x16xf32>,
      %get3A_469 = vector.shape_cast %get3A_468 : vector<1x16xf32> to vector<16xf32>
      %gt3A_470 = arith.cmpf ogt, %get3A_469, %select_n3A_410 : vector<16xf32>
      %select_n3A_471 = arith.select %gt3A_470, %get3A_469, %select_n3A_410 : vector<16xi1>, vector<16xf32>
      %select_n3A_472 = arith.select %gt3A_470, %add3A_428, %select_n3A_411 : vector<16xi1>, vector<16xi32>
      %get3A_473 = arith.index_cast %scan3A_430 : i32 to index
      %get3A_474 = arith.constant 96 : index
      %get3A_475 = tpu.vector_load %arg5[%get3A_473, %get3A_474] {strides = array<i32>} : memref<400x128xf32, #tpu.memory_space<vmem>>, vector<1x16xf32>,
      %get3A_476 = vector.shape_cast %get3A_475 : vector<1x16xf32> to vector<16xf32>
      %gt3A_477 = arith.cmpf ogt, %get3A_476, %select_n3A_417 : vector<16xf32>
      %select_n3A_478 = arith.select %gt3A_477, %get3A_476, %select_n3A_417 : vector<16xi1>, vector<16xf32>
      %select_n3A_479 = arith.select %gt3A_477, %add3A_428, %select_n3A_418 : vector<16xi1>, vector<16xi32>
      %get3A_480 = arith.index_cast %scan3A_430 : i32 to index
      %get3A_481 = arith.constant 112 : index
      %get3A_482 = tpu.vector_load %arg5[%get3A_480, %get3A_481] {strides = array<i32>} : memref<400x128xf32, #tpu.memory_space<vmem>>, vector<1x16xf32>,
      %get3A_483 = vector.shape_cast %get3A_482 : vector<1x16xf32> to vector<16xf32>
      %gt3A_484 = arith.cmpf ogt, %get3A_483, %select_n3A_424 : vector<16xf32>
      %select_n3A_485 = arith.select %gt3A_484, %get3A_483, %select_n3A_424 : vector<16xi1>, vector<16xf32>
      %select_n3A_486 = arith.select %gt3A_484, %add3A_428, %select_n3A_425 : vector<16xi1>, vector<16xi32>
      %add3A_487 = arith.constant 1 : i32
      %add3A_488 = vector.broadcast %add3A_487 : i32 to vector<16xi32>
      %add3A_489 = arith.addi %add3A_428, %add3A_488 : vector<16xi32>
      scf.yield %select_n3A_436, %select_n3A_443, %select_n3A_450, %select_n3A_457, %select_n3A_464, %select_n3A_471, %select_n3A_478, %select_n3A_485, %select_n3A_437, %select_n3A_444, %select_n3A_451, %select_n3A_458, %select_n3A_465, %select_n3A_472, %select_n3A_479, %select_n3A_486, %add3A_489 : vector<16xf32>, vector<16xf32>, vector<16xf32>, vector<16xf32>, vector<16xf32>, vector<16xf32>, vector<16xf32>, vector<16xf32>, vector<16xi32>, vector<16xi32>, vector<16xi32>, vector<16xi32>, vector<16xi32>, vector<16xi32>, vector<16xi32>, vector<16xi32>, vector<16xi32>
    }
    %scan3A_268 = arith.constant 400 : i32
    %add3A_269 = arith.constant 224 : i32
    %add3A_270 = arith.addi %add3A, %add3A_269 : i32
    %min3A_271 = arith.constant 249 : i32
    %min3A_272 = arith.minsi %add3A_270, %min3A_271 : i32
    %mul3A_273 = arith.constant 400 : i32
    %mul3A_274 = arith.muli %min3A_272, %mul3A_273 : i32
    %dma_wait3A_275 = arith.constant 0 : i32
    %dma_wait3A_276 = tpu.memref_slice %arg2[%mul3A_274, %dma_wait3A_275] : memref<100000x128xf32, #tpu.memory_space<hbm>> -> memref<400x128xf32, #tpu.memory_space<hbm>>
    %dma_wait3A_277 = arith.constant 0 : i32
    %dma_wait3A_278 = tpu.memref_slice %arg2[%mul3A_274, %dma_wait3A_277] : memref<100000x128xf32, #tpu.memory_space<hbm>> -> memref<400x128xf32, #tpu.memory_space<hbm>>
    tpu.wait_dma2 semaphore(%arg10 : memref<!tpu.dma_semaphore, #tpu.memory_space<semaphore_mem>>) src(%dma_wait3A_278 : memref<400x128xf32, #tpu.memory_space<hbm>>) dst(%arg6 : memref<400x128xf32, #tpu.memory_space<vmem>>)
    %add3A_279 = arith.constant 224 : i32
    %add3A_280 = arith.addi %add3A, %add3A_279 : i32
    %min3A_281 = arith.constant 249 : i32
    %min3A_282 = arith.minsi %add3A_280, %min3A_281 : i32
    %mul3A_283 = arith.constant 400 : i32
    %mul3A_284 = arith.muli %min3A_282, %mul3A_283 : i32
    %broadcast_in_dim3A_285 = vector.broadcast %mul3A_284 : i32 to vector<16xi32>
    %scan3A_286 = arith.constant 0 : i32
    %scan3A_287 = arith.constant 400 : i32
    %scan3A_288 = arith.addi %scan3A_286, %scan3A_287 : i32
    %scan3A_289 = arith.constant 2 : i32
    %scan3A_290:17 = scf.for %scan3A_355 = %scan3A_286 to %scan3A_288 step %scan3A_289 iter_args(%scan3A_356 = %scan3A_267#0, %scan3A_357 = %scan3A_267#1, %scan3A_358 = %scan3A_267#2, %scan3A_359 = %scan3A_267#3, %scan3A_360 = %scan3A_267#4, %scan3A_361 = %scan3A_267#5, %scan3A_362 = %scan3A_267#6, %scan3A_363 = %scan3A_267#7, %scan3A_364 = %scan3A_267#8, %scan3A_365 = %scan3A_267#9, %scan3A_366 = %scan3A_267#10, %scan3A_367 = %scan3A_267#11, %scan3A_368 = %scan3A_267#12, %scan3A_369 = %scan3A_267#13, %scan3A_370 = %scan3A_267#14, %scan3A_371 = %scan3A_267#15, %scan3A_372 = %broadcast_in_dim3A_285) -> (vector<16xf32>, vector<16xf32>, vector<16xf32>, vector<16xf32>, vector<16xf32>, vector<16xf32>, vector<16xf32>, vector<16xf32>, vector<16xi32>, vector<16xi32>, vector<16xi32>, vector<16xi32>, vector<16xi32>, vector<16xi32>, vector<16xi32>, vector<16xi32>, vector<16xi32>)  : i32 {
      %get3A = arith.index_cast %scan3A_355 : i32 to index
      %get3A_373 = arith.constant 0 : index
      %get3A_374 = tpu.vector_load %arg6[%get3A, %get3A_373] {strides = array<i32>} : memref<400x128xf32, #tpu.memory_space<vmem>>, vector<1x16xf32>,
      %get3A_375 = vector.shape_cast %get3A_374 : vector<1x16xf32> to vector<16xf32>
      %gt3A = arith.cmpf ogt, %get3A_375, %scan3A_356 : vector<16xf32>
      %select_n3A = arith.select %gt3A, %get3A_375, %scan3A_356 : vector<16xi1>, vector<16xf32>
      %select_n3A_376 = arith.select %gt3A, %scan3A_372, %scan3A_364 : vector<16xi1>, vector<16xi32>
      %get3A_377 = arith.index_cast %scan3A_355 : i32 to index
      %get3A_378 = arith.constant 16 : index
      %get3A_379 = tpu.vector_load %arg6[%get3A_377, %get3A_378] {strides = array<i32>} : memref<400x128xf32, #tpu.memory_space<vmem>>, vector<1x16xf32>,
      %get3A_380 = vector.shape_cast %get3A_379 : vector<1x16xf32> to vector<16xf32>
      %gt3A_381 = arith.cmpf ogt, %get3A_380, %scan3A_357 : vector<16xf32>
      %select_n3A_382 = arith.select %gt3A_381, %get3A_380, %scan3A_357 : vector<16xi1>, vector<16xf32>
      %select_n3A_383 = arith.select %gt3A_381, %scan3A_372, %scan3A_365 : vector<16xi1>, vector<16xi32>
      %get3A_384 = arith.index_cast %scan3A_355 : i32 to index
      %get3A_385 = arith.constant 32 : index
      %get3A_386 = tpu.vector_load %arg6[%get3A_384, %get3A_385] {strides = array<i32>} : memref<400x128xf32, #tpu.memory_space<vmem>>, vector<1x16xf32>,
      %get3A_387 = vector.shape_cast %get3A_386 : vector<1x16xf32> to vector<16xf32>
      %gt3A_388 = arith.cmpf ogt, %get3A_387, %scan3A_358 : vector<16xf32>
      %select_n3A_389 = arith.select %gt3A_388, %get3A_387, %scan3A_358 : vector<16xi1>, vector<16xf32>
      %select_n3A_390 = arith.select %gt3A_388, %scan3A_372, %scan3A_366 : vector<16xi1>, vector<16xi32>
      %get3A_391 = arith.index_cast %scan3A_355 : i32 to index
      %get3A_392 = arith.constant 48 : index
      %get3A_393 = tpu.vector_load %arg6[%get3A_391, %get3A_392] {strides = array<i32>} : memref<400x128xf32, #tpu.memory_space<vmem>>, vector<1x16xf32>,
      %get3A_394 = vector.shape_cast %get3A_393 : vector<1x16xf32> to vector<16xf32>
      %gt3A_395 = arith.cmpf ogt, %get3A_394, %scan3A_359 : vector<16xf32>
      %select_n3A_396 = arith.select %gt3A_395, %get3A_394, %scan3A_359 : vector<16xi1>, vector<16xf32>
      %select_n3A_397 = arith.select %gt3A_395, %scan3A_372, %scan3A_367 : vector<16xi1>, vector<16xi32>
      %get3A_398 = arith.index_cast %scan3A_355 : i32 to index
      %get3A_399 = arith.constant 64 : index
      %get3A_400 = tpu.vector_load %arg6[%get3A_398, %get3A_399] {strides = array<i32>} : memref<400x128xf32, #tpu.memory_space<vmem>>, vector<1x16xf32>,
      %get3A_401 = vector.shape_cast %get3A_400 : vector<1x16xf32> to vector<16xf32>
      %gt3A_402 = arith.cmpf ogt, %get3A_401, %scan3A_360 : vector<16xf32>
      %select_n3A_403 = arith.select %gt3A_402, %get3A_401, %scan3A_360 : vector<16xi1>, vector<16xf32>
      %select_n3A_404 = arith.select %gt3A_402, %scan3A_372, %scan3A_368 : vector<16xi1>, vector<16xi32>
      %get3A_405 = arith.index_cast %scan3A_355 : i32 to index
      %get3A_406 = arith.constant 80 : index
      %get3A_407 = tpu.vector_load %arg6[%get3A_405, %get3A_406] {strides = array<i32>} : memref<400x128xf32, #tpu.memory_space<vmem>>, vector<1x16xf32>,
      %get3A_408 = vector.shape_cast %get3A_407 : vector<1x16xf32> to vector<16xf32>
      %gt3A_409 = arith.cmpf ogt, %get3A_408, %scan3A_361 : vector<16xf32>
      %select_n3A_410 = arith.select %gt3A_409, %get3A_408, %scan3A_361 : vector<16xi1>, vector<16xf32>
      %select_n3A_411 = arith.select %gt3A_409, %scan3A_372, %scan3A_369 : vector<16xi1>, vector<16xi32>
      %get3A_412 = arith.index_cast %scan3A_355 : i32 to index
      %get3A_413 = arith.constant 96 : index
      %get3A_414 = tpu.vector_load %arg6[%get3A_412, %get3A_413] {strides = array<i32>} : memref<400x128xf32, #tpu.memory_space<vmem>>, vector<1x16xf32>,
      %get3A_415 = vector.shape_cast %get3A_414 : vector<1x16xf32> to vector<16xf32>
      %gt3A_416 = arith.cmpf ogt, %get3A_415, %scan3A_362 : vector<16xf32>
      %select_n3A_417 = arith.select %gt3A_416, %get3A_415, %scan3A_362 : vector<16xi1>, vector<16xf32>
      %select_n3A_418 = arith.select %gt3A_416, %scan3A_372, %scan3A_370 : vector<16xi1>, vector<16xi32>
      %get3A_419 = arith.index_cast %scan3A_355 : i32 to index
      %get3A_420 = arith.constant 112 : index
      %get3A_421 = tpu.vector_load %arg6[%get3A_419, %get3A_420] {strides = array<i32>} : memref<400x128xf32, #tpu.memory_space<vmem>>, vector<1x16xf32>,
      %get3A_422 = vector.shape_cast %get3A_421 : vector<1x16xf32> to vector<16xf32>
      %gt3A_423 = arith.cmpf ogt, %get3A_422, %scan3A_363 : vector<16xf32>
      %select_n3A_424 = arith.select %gt3A_423, %get3A_422, %scan3A_363 : vector<16xi1>, vector<16xf32>
      %select_n3A_425 = arith.select %gt3A_423, %scan3A_372, %scan3A_371 : vector<16xi1>, vector<16xi32>
      %add3A_426 = arith.constant 1 : i32
      %add3A_427 = vector.broadcast %add3A_426 : i32 to vector<16xi32>
      %add3A_428 = arith.addi %scan3A_372, %add3A_427 : vector<16xi32>
      %scan3A_429 = arith.constant 1 : i32
      %scan3A_430 = arith.addi %scan3A_355, %scan3A_429 : i32
      %get3A_431 = arith.index_cast %scan3A_430 : i32 to index
      %get3A_432 = arith.constant 0 : index
      %get3A_433 = tpu.vector_load %arg6[%get3A_431, %get3A_432] {strides = array<i32>} : memref<400x128xf32, #tpu.memory_space<vmem>>, vector<1x16xf32>,
      %get3A_434 = vector.shape_cast %get3A_433 : vector<1x16xf32> to vector<16xf32>
      %gt3A_435 = arith.cmpf ogt, %get3A_434, %select_n3A : vector<16xf32>
      %select_n3A_436 = arith.select %gt3A_435, %get3A_434, %select_n3A : vector<16xi1>, vector<16xf32>
      %select_n3A_437 = arith.select %gt3A_435, %add3A_428, %select_n3A_376 : vector<16xi1>, vector<16xi32>
      %get3A_438 = arith.index_cast %scan3A_430 : i32 to index
      %get3A_439 = arith.constant 16 : index
      %get3A_440 = tpu.vector_load %arg6[%get3A_438, %get3A_439] {strides = array<i32>} : memref<400x128xf32, #tpu.memory_space<vmem>>, vector<1x16xf32>,
      %get3A_441 = vector.shape_cast %get3A_440 : vector<1x16xf32> to vector<16xf32>
      %gt3A_442 = arith.cmpf ogt, %get3A_441, %select_n3A_382 : vector<16xf32>
      %select_n3A_443 = arith.select %gt3A_442, %get3A_441, %select_n3A_382 : vector<16xi1>, vector<16xf32>
      %select_n3A_444 = arith.select %gt3A_442, %add3A_428, %select_n3A_383 : vector<16xi1>, vector<16xi32>
      %get3A_445 = arith.index_cast %scan3A_430 : i32 to index
      %get3A_446 = arith.constant 32 : index
      %get3A_447 = tpu.vector_load %arg6[%get3A_445, %get3A_446] {strides = array<i32>} : memref<400x128xf32, #tpu.memory_space<vmem>>, vector<1x16xf32>,
      %get3A_448 = vector.shape_cast %get3A_447 : vector<1x16xf32> to vector<16xf32>
      %gt3A_449 = arith.cmpf ogt, %get3A_448, %select_n3A_389 : vector<16xf32>
      %select_n3A_450 = arith.select %gt3A_449, %get3A_448, %select_n3A_389 : vector<16xi1>, vector<16xf32>
      %select_n3A_451 = arith.select %gt3A_449, %add3A_428, %select_n3A_390 : vector<16xi1>, vector<16xi32>
      %get3A_452 = arith.index_cast %scan3A_430 : i32 to index
      %get3A_453 = arith.constant 48 : index
      %get3A_454 = tpu.vector_load %arg6[%get3A_452, %get3A_453] {strides = array<i32>} : memref<400x128xf32, #tpu.memory_space<vmem>>, vector<1x16xf32>,
      %get3A_455 = vector.shape_cast %get3A_454 : vector<1x16xf32> to vector<16xf32>
      %gt3A_456 = arith.cmpf ogt, %get3A_455, %select_n3A_396 : vector<16xf32>
      %select_n3A_457 = arith.select %gt3A_456, %get3A_455, %select_n3A_396 : vector<16xi1>, vector<16xf32>
      %select_n3A_458 = arith.select %gt3A_456, %add3A_428, %select_n3A_397 : vector<16xi1>, vector<16xi32>
      %get3A_459 = arith.index_cast %scan3A_430 : i32 to index
      %get3A_460 = arith.constant 64 : index
      %get3A_461 = tpu.vector_load %arg6[%get3A_459, %get3A_460] {strides = array<i32>} : memref<400x128xf32, #tpu.memory_space<vmem>>, vector<1x16xf32>,
      %get3A_462 = vector.shape_cast %get3A_461 : vector<1x16xf32> to vector<16xf32>
      %gt3A_463 = arith.cmpf ogt, %get3A_462, %select_n3A_403 : vector<16xf32>
      %select_n3A_464 = arith.select %gt3A_463, %get3A_462, %select_n3A_403 : vector<16xi1>, vector<16xf32>
      %select_n3A_465 = arith.select %gt3A_463, %add3A_428, %select_n3A_404 : vector<16xi1>, vector<16xi32>
      %get3A_466 = arith.index_cast %scan3A_430 : i32 to index
      %get3A_467 = arith.constant 80 : index
      %get3A_468 = tpu.vector_load %arg6[%get3A_466, %get3A_467] {strides = array<i32>} : memref<400x128xf32, #tpu.memory_space<vmem>>, vector<1x16xf32>,
      %get3A_469 = vector.shape_cast %get3A_468 : vector<1x16xf32> to vector<16xf32>
      %gt3A_470 = arith.cmpf ogt, %get3A_469, %select_n3A_410 : vector<16xf32>
      %select_n3A_471 = arith.select %gt3A_470, %get3A_469, %select_n3A_410 : vector<16xi1>, vector<16xf32>
      %select_n3A_472 = arith.select %gt3A_470, %add3A_428, %select_n3A_411 : vector<16xi1>, vector<16xi32>
      %get3A_473 = arith.index_cast %scan3A_430 : i32 to index
      %get3A_474 = arith.constant 96 : index
      %get3A_475 = tpu.vector_load %arg6[%get3A_473, %get3A_474] {strides = array<i32>} : memref<400x128xf32, #tpu.memory_space<vmem>>, vector<1x16xf32>,
      %get3A_476 = vector.shape_cast %get3A_475 : vector<1x16xf32> to vector<16xf32>
      %gt3A_477 = arith.cmpf ogt, %get3A_476, %select_n3A_417 : vector<16xf32>
      %select_n3A_478 = arith.select %gt3A_477, %get3A_476, %select_n3A_417 : vector<16xi1>, vector<16xf32>
      %select_n3A_479 = arith.select %gt3A_477, %add3A_428, %select_n3A_418 : vector<16xi1>, vector<16xi32>
      %get3A_480 = arith.index_cast %scan3A_430 : i32 to index
      %get3A_481 = arith.constant 112 : index
      %get3A_482 = tpu.vector_load %arg6[%get3A_480, %get3A_481] {strides = array<i32>} : memref<400x128xf32, #tpu.memory_space<vmem>>, vector<1x16xf32>,
      %get3A_483 = vector.shape_cast %get3A_482 : vector<1x16xf32> to vector<16xf32>
      %gt3A_484 = arith.cmpf ogt, %get3A_483, %select_n3A_424 : vector<16xf32>
      %select_n3A_485 = arith.select %gt3A_484, %get3A_483, %select_n3A_424 : vector<16xi1>, vector<16xf32>
      %select_n3A_486 = arith.select %gt3A_484, %add3A_428, %select_n3A_425 : vector<16xi1>, vector<16xi32>
      %add3A_487 = arith.constant 1 : i32
      %add3A_488 = vector.broadcast %add3A_487 : i32 to vector<16xi32>
      %add3A_489 = arith.addi %add3A_428, %add3A_488 : vector<16xi32>
      scf.yield %select_n3A_436, %select_n3A_443, %select_n3A_450, %select_n3A_457, %select_n3A_464, %select_n3A_471, %select_n3A_478, %select_n3A_485, %select_n3A_437, %select_n3A_444, %select_n3A_451, %select_n3A_458, %select_n3A_465, %select_n3A_472, %select_n3A_479, %select_n3A_486, %add3A_489 : vector<16xf32>, vector<16xf32>, vector<16xf32>, vector<16xf32>, vector<16xf32>, vector<16xf32>, vector<16xf32>, vector<16xf32>, vector<16xi32>, vector<16xi32>, vector<16xi32>, vector<16xi32>, vector<16xi32>, vector<16xi32>, vector<16xi32>, vector<16xi32>, vector<16xi32>
    }
    %scan3A_291 = arith.constant 400 : i32
    %swap3A = arith.constant 0 : index
    %swap3A_292 = tpu.vector_load %arg7[%swap3A] {strides = array<i32>} : memref<128xf32, #tpu.memory_space<vmem>>, vector<16xf32>,
    %swap3A_293 = vector.shape_cast %swap3A_292 : vector<16xf32> to vector<16xf32>
    %swap3A_294 = vector.shape_cast %scan3A_290#0 : vector<16xf32> to vector<16xf32>
    tpu.vector_store %arg7[%swap3A], %swap3A_294 {strides = array<i32>} : memref<128xf32, #tpu.memory_space<vmem>>, vector<16xf32>,
    %swap3A_295 = arith.constant 0 : index
    %swap3A_296 = tpu.vector_load %arg8[%swap3A_295] {strides = array<i32>} : memref<128xi32, #tpu.memory_space<vmem>>, vector<16xi32>,
    %swap3A_297 = vector.shape_cast %swap3A_296 : vector<16xi32> to vector<16xi32>
    %swap3A_298 = vector.shape_cast %scan3A_290#8 : vector<16xi32> to vector<16xi32>
    tpu.vector_store %arg8[%swap3A_295], %swap3A_298 {strides = array<i32>} : memref<128xi32, #tpu.memory_space<vmem>>, vector<16xi32>,
    %swap3A_299 = arith.constant 16 : index
    %swap3A_300 = tpu.vector_load %arg7[%swap3A_299] {strides = array<i32>} : memref<128xf32, #tpu.memory_space<vmem>>, vector<16xf32>,
    %swap3A_301 = vector.shape_cast %swap3A_300 : vector<16xf32> to vector<16xf32>
    %swap3A_302 = vector.shape_cast %scan3A_290#1 : vector<16xf32> to vector<16xf32>
    tpu.vector_store %arg7[%swap3A_299], %swap3A_302 {strides = array<i32>} : memref<128xf32, #tpu.memory_space<vmem>>, vector<16xf32>,
    %swap3A_303 = arith.constant 16 : index
    %swap3A_304 = tpu.vector_load %arg8[%swap3A_303] {strides = array<i32>} : memref<128xi32, #tpu.memory_space<vmem>>, vector<16xi32>,
    %swap3A_305 = vector.shape_cast %swap3A_304 : vector<16xi32> to vector<16xi32>
    %swap3A_306 = vector.shape_cast %scan3A_290#9 : vector<16xi32> to vector<16xi32>
    tpu.vector_store %arg8[%swap3A_303], %swap3A_306 {strides = array<i32>} : memref<128xi32, #tpu.memory_space<vmem>>, vector<16xi32>,
    %swap3A_307 = arith.constant 32 : index
    %swap3A_308 = tpu.vector_load %arg7[%swap3A_307] {strides = array<i32>} : memref<128xf32, #tpu.memory_space<vmem>>, vector<16xf32>,
    %swap3A_309 = vector.shape_cast %swap3A_308 : vector<16xf32> to vector<16xf32>
    %swap3A_310 = vector.shape_cast %scan3A_290#2 : vector<16xf32> to vector<16xf32>
    tpu.vector_store %arg7[%swap3A_307], %swap3A_310 {strides = array<i32>} : memref<128xf32, #tpu.memory_space<vmem>>, vector<16xf32>,
    %swap3A_311 = arith.constant 32 : index
    %swap3A_312 = tpu.vector_load %arg8[%swap3A_311] {strides = array<i32>} : memref<128xi32, #tpu.memory_space<vmem>>, vector<16xi32>,
    %swap3A_313 = vector.shape_cast %swap3A_312 : vector<16xi32> to vector<16xi32>
    %swap3A_314 = vector.shape_cast %scan3A_290#10 : vector<16xi32> to vector<16xi32>
    tpu.vector_store %arg8[%swap3A_311], %swap3A_314 {strides = array<i32>} : memref<128xi32, #tpu.memory_space<vmem>>, vector<16xi32>,
    %swap3A_315 = arith.constant 48 : index
    %swap3A_316 = tpu.vector_load %arg7[%swap3A_315] {strides = array<i32>} : memref<128xf32, #tpu.memory_space<vmem>>, vector<16xf32>,
    %swap3A_317 = vector.shape_cast %swap3A_316 : vector<16xf32> to vector<16xf32>
    %swap3A_318 = vector.shape_cast %scan3A_290#3 : vector<16xf32> to vector<16xf32>
    tpu.vector_store %arg7[%swap3A_315], %swap3A_318 {strides = array<i32>} : memref<128xf32, #tpu.memory_space<vmem>>, vector<16xf32>,
    %swap3A_319 = arith.constant 48 : index
    %swap3A_320 = tpu.vector_load %arg8[%swap3A_319] {strides = array<i32>} : memref<128xi32, #tpu.memory_space<vmem>>, vector<16xi32>,
    %swap3A_321 = vector.shape_cast %swap3A_320 : vector<16xi32> to vector<16xi32>
    %swap3A_322 = vector.shape_cast %scan3A_290#11 : vector<16xi32> to vector<16xi32>
    tpu.vector_store %arg8[%swap3A_319], %swap3A_322 {strides = array<i32>} : memref<128xi32, #tpu.memory_space<vmem>>, vector<16xi32>,
    %swap3A_323 = arith.constant 64 : index
    %swap3A_324 = tpu.vector_load %arg7[%swap3A_323] {strides = array<i32>} : memref<128xf32, #tpu.memory_space<vmem>>, vector<16xf32>,
    %swap3A_325 = vector.shape_cast %swap3A_324 : vector<16xf32> to vector<16xf32>
    %swap3A_326 = vector.shape_cast %scan3A_290#4 : vector<16xf32> to vector<16xf32>
    tpu.vector_store %arg7[%swap3A_323], %swap3A_326 {strides = array<i32>} : memref<128xf32, #tpu.memory_space<vmem>>, vector<16xf32>,
    %swap3A_327 = arith.constant 64 : index
    %swap3A_328 = tpu.vector_load %arg8[%swap3A_327] {strides = array<i32>} : memref<128xi32, #tpu.memory_space<vmem>>, vector<16xi32>,
    %swap3A_329 = vector.shape_cast %swap3A_328 : vector<16xi32> to vector<16xi32>
    %swap3A_330 = vector.shape_cast %scan3A_290#12 : vector<16xi32> to vector<16xi32>
    tpu.vector_store %arg8[%swap3A_327], %swap3A_330 {strides = array<i32>} : memref<128xi32, #tpu.memory_space<vmem>>, vector<16xi32>,
    %swap3A_331 = arith.constant 80 : index
    %swap3A_332 = tpu.vector_load %arg7[%swap3A_331] {strides = array<i32>} : memref<128xf32, #tpu.memory_space<vmem>>, vector<16xf32>,
    %swap3A_333 = vector.shape_cast %swap3A_332 : vector<16xf32> to vector<16xf32>
    %swap3A_334 = vector.shape_cast %scan3A_290#5 : vector<16xf32> to vector<16xf32>
    tpu.vector_store %arg7[%swap3A_331], %swap3A_334 {strides = array<i32>} : memref<128xf32, #tpu.memory_space<vmem>>, vector<16xf32>,
    %swap3A_335 = arith.constant 80 : index
    %swap3A_336 = tpu.vector_load %arg8[%swap3A_335] {strides = array<i32>} : memref<128xi32, #tpu.memory_space<vmem>>, vector<16xi32>,
    %swap3A_337 = vector.shape_cast %swap3A_336 : vector<16xi32> to vector<16xi32>
    %swap3A_338 = vector.shape_cast %scan3A_290#13 : vector<16xi32> to vector<16xi32>
    tpu.vector_store %arg8[%swap3A_335], %swap3A_338 {strides = array<i32>} : memref<128xi32, #tpu.memory_space<vmem>>, vector<16xi32>,
    %swap3A_339 = arith.constant 96 : index
    %swap3A_340 = tpu.vector_load %arg7[%swap3A_339] {strides = array<i32>} : memref<128xf32, #tpu.memory_space<vmem>>, vector<16xf32>,
    %swap3A_341 = vector.shape_cast %swap3A_340 : vector<16xf32> to vector<16xf32>
    %swap3A_342 = vector.shape_cast %scan3A_290#6 : vector<16xf32> to vector<16xf32>
    tpu.vector_store %arg7[%swap3A_339], %swap3A_342 {strides = array<i32>} : memref<128xf32, #tpu.memory_space<vmem>>, vector<16xf32>,
    %swap3A_343 = arith.constant 96 : index
    %swap3A_344 = tpu.vector_load %arg8[%swap3A_343] {strides = array<i32>} : memref<128xi32, #tpu.memory_space<vmem>>, vector<16xi32>,
    %swap3A_345 = vector.shape_cast %swap3A_344 : vector<16xi32> to vector<16xi32>
    %swap3A_346 = vector.shape_cast %scan3A_290#14 : vector<16xi32> to vector<16xi32>
    tpu.vector_store %arg8[%swap3A_343], %swap3A_346 {strides = array<i32>} : memref<128xi32, #tpu.memory_space<vmem>>, vector<16xi32>,
    %swap3A_347 = arith.constant 112 : index
    %swap3A_348 = tpu.vector_load %arg7[%swap3A_347] {strides = array<i32>} : memref<128xf32, #tpu.memory_space<vmem>>, vector<16xf32>,
    %swap3A_349 = vector.shape_cast %swap3A_348 : vector<16xf32> to vector<16xf32>
    %swap3A_350 = vector.shape_cast %scan3A_290#7 : vector<16xf32> to vector<16xf32>
    tpu.vector_store %arg7[%swap3A_347], %swap3A_350 {strides = array<i32>} : memref<128xf32, #tpu.memory_space<vmem>>, vector<16xf32>,
    %swap3A_351 = arith.constant 112 : index
    %swap3A_352 = tpu.vector_load %arg8[%swap3A_351] {strides = array<i32>} : memref<128xi32, #tpu.memory_space<vmem>>, vector<16xi32>,
    %swap3A_353 = vector.shape_cast %swap3A_352 : vector<16xi32> to vector<16xi32>
    %swap3A_354 = vector.shape_cast %scan3A_290#15 : vector<16xi32> to vector<16xi32>
    tpu.vector_store %arg8[%swap3A_351], %swap3A_354 {strides = array<i32>} : memref<128xi32, #tpu.memory_space<vmem>>, vector<16xi32>,
    "tpu.region"() ({
      %run_scoped3A = tpu.sem_alloc : memref<!tpu.dma_semaphore, #tpu.memory_space<semaphore_mem>>
      %dma_start3A_355 = arith.constant 0 : i32
      %dma_start3A_356 = tpu.memref_slice %arg3[%add3A, %dma_start3A_355] : memref<32x128xf32, #tpu.memory_space<hbm>> -> memref<1x128xf32, #tpu.memory_space<hbm>>
      %dma_start3A_357 = tpu.memref_squeeze %dma_start3A_356 : memref<1x128xf32, #tpu.memory_space<hbm>> -> memref<128xf32, #tpu.memory_space<hbm>>
      %dma_start3A_358 = arith.constant 0 : i32
      %dma_start3A_359 = tpu.memref_slice %arg3[%add3A, %dma_start3A_358] : memref<32x128xf32, #tpu.memory_space<hbm>> -> memref<1x128xf32, #tpu.memory_space<hbm>>
      %dma_start3A_360 = tpu.memref_squeeze %dma_start3A_359 : memref<1x128xf32, #tpu.memory_space<hbm>> -> memref<128xf32, #tpu.memory_space<hbm>>
      tpu.enqueue_dma source(%arg7 : memref<128xf32, #tpu.memory_space<vmem>>) target(%dma_start3A_360 : memref<128xf32, #tpu.memory_space<hbm>>) target_semaphore(%run_scoped3A : memref<!tpu.dma_semaphore, #tpu.memory_space<semaphore_mem>>)
      %dma_wait3A_361 = arith.constant 0 : i32
      %dma_wait3A_362 = tpu.memref_slice %arg3[%add3A, %dma_wait3A_361] : memref<32x128xf32, #tpu.memory_space<hbm>> -> memref<1x128xf32, #tpu.memory_space<hbm>>
      %dma_wait3A_363 = tpu.memref_squeeze %dma_wait3A_362 : memref<1x128xf32, #tpu.memory_space<hbm>> -> memref<128xf32, #tpu.memory_space<hbm>>
      %dma_wait3A_364 = arith.constant 0 : i32
      %dma_wait3A_365 = tpu.memref_slice %arg3[%add3A, %dma_wait3A_364] : memref<32x128xf32, #tpu.memory_space<hbm>> -> memref<1x128xf32, #tpu.memory_space<hbm>>
      %dma_wait3A_366 = tpu.memref_squeeze %dma_wait3A_365 : memref<1x128xf32, #tpu.memory_space<hbm>> -> memref<128xf32, #tpu.memory_space<hbm>>
      tpu.wait_dma2 semaphore(%run_scoped3A : memref<!tpu.dma_semaphore, #tpu.memory_space<semaphore_mem>>) src(%arg7 : memref<128xf32, #tpu.memory_space<vmem>>) dst(%dma_wait3A_366 : memref<128xf32, #tpu.memory_space<hbm>>)
      tpu.yield
    }) : () -> ()
    "tpu.region"() ({
      %run_scoped3A = tpu.sem_alloc : memref<!tpu.dma_semaphore, #tpu.memory_space<semaphore_mem>>
      %dma_start3A_355 = arith.constant 0 : i32
      %dma_start3A_356 = tpu.memref_slice %arg4[%add3A, %dma_start3A_355] : memref<32x128xi32, #tpu.memory_space<hbm>> -> memref<1x128xi32, #tpu.memory_space<hbm>>
      %dma_start3A_357 = tpu.memref_squeeze %dma_start3A_356 : memref<1x128xi32, #tpu.memory_space<hbm>> -> memref<128xi32, #tpu.memory_space<hbm>>
      %dma_start3A_358 = arith.constant 0 : i32
      %dma_start3A_359 = tpu.memref_slice %arg4[%add3A, %dma_start3A_358] : memref<32x128xi32, #tpu.memory_space<hbm>> -> memref<1x128xi32, #tpu.memory_space<hbm>>
      %dma_start3A_360 = tpu.memref_squeeze %dma_start3A_359 : memref<1x128xi32, #tpu.memory_space<hbm>> -> memref<128xi32, #tpu.memory_space<hbm>>
      tpu.enqueue_dma source(%arg8 : memref<128xi32, #tpu.memory_space<vmem>>) target(%dma_start3A_360 : memref<128xi32, #tpu.memory_space<hbm>>) target_semaphore(%run_scoped3A : memref<!tpu.dma_semaphore, #tpu.memory_space<semaphore_mem>>)
      %dma_wait3A_361 = arith.constant 0 : i32
      %dma_wait3A_362 = tpu.memref_slice %arg4[%add3A, %dma_wait3A_361] : memref<32x128xi32, #tpu.memory_space<hbm>> -> memref<1x128xi32, #tpu.memory_space<hbm>>
      %dma_wait3A_363 = tpu.memref_squeeze %dma_wait3A_362 : memref<1x128xi32, #tpu.memory_space<hbm>> -> memref<128xi32, #tpu.memory_space<hbm>>
      %dma_wait3A_364 = arith.constant 0 : i32
      %dma_wait3A_365 = tpu.memref_slice %arg4[%add3A, %dma_wait3A_364] : memref<32x128xi32, #tpu.memory_space<hbm>> -> memref<1x128xi32, #tpu.memory_space<hbm>>
      %dma_wait3A_366 = tpu.memref_squeeze %dma_wait3A_365 : memref<1x128xi32, #tpu.memory_space<hbm>> -> memref<128xi32, #tpu.memory_space<hbm>>
      tpu.wait_dma2 semaphore(%run_scoped3A : memref<!tpu.dma_semaphore, #tpu.memory_space<semaphore_mem>>) src(%arg8 : memref<128xi32, #tpu.memory_space<vmem>>) dst(%dma_wait3A_366 : memref<128xi32, #tpu.memory_space<hbm>>)
      tpu.yield
    }) : () -> ()
    return
  }
}

</mosaic_0001>

<sc_bundles>
// kernel: kernel.3.cloned.1.call-start
scs
__scs_entry_jumppad:
0x0: {  	(pc) =	sbr.rel $0x88, $3  }
0x1: {  	(tag) =	ssettag $0x0;
	lr =	simm.s32 $0x1  }
0x2: {  	[smem:$0x3FA0] =	sst lr;
	_ =	strace $0xD0000000  }
0x3: {  	_ = 	snop  }
0x4: {  	_ = 	snop  }
0x5: {  	_ = 	snop  }
0x6: {  	_ = 	snop  }
0x7: {  	_ = 	snop  }
__scs_overlays_trampoline_lowered:
0x8: {  	[smem:$0x3FAF] =	sst s0  }
0x9: {  	[smem:$0x3FB0] =	sst s1  }
0xa: {  	[smem:$0x3FB1] =	sst s2  }
0xb: {  	[smem:$0x3FB2] =	sst s3  }
0xc: {  	[smem:$0x3FB3] =	sst s4  }
0xd: {  	[smem:$0x3FB4] =	sst s5  }
0xe: {  	[smem:$0x3FB5] =	sst s6  }
0xf: {  	[smem:$0x3FB6] =	sst s7  }
0x10: {  	[smem:$0x3FB7] =	sst s8  }
0x11: {  	[smem:$0x3FB8] =	sst s9;
	s0 =	simm.s32 @!p0 $0x0  }
0x12: {  	s1 =	sld [smem:$0x3F9E];
	s0 =	simm.s32 @p0 $0x1  }
0x13: {  	[smem:$0x3FB9] =	sst s0;
	s0 =	simm.s32 @!p1 $0x0  }
0x14: {  	s2 =	sld [smem:$0x3F9D];
	s0 =	simm.s32 @p1 $0x1  }
0x15: {  	[smem:$0x3FBA] =	sst s0;
	s0 =	simm.s32 @!p2 $0x0  }
0x16: {  	s3 =	sld [smem:$0x3FDB];
	s0 =	simm.s32 @p2 $0x1  }
0x17: {  	s4 =	simm.s32 $0x1BF5;
	[smem:$0x3FBC] =	sst s0  }
0x18: {  	s0 =	sld [smem:$0x3F9F];
	_ =	swait.ge [sflag:s4], $0x0  }
0x19: {  	s7 =	sld [smem:$0x3FA0]  }
0x1a: {  	s8 =	sadd.s32 $0xFFFFE003, lr  }
0x1b: {  	s9 =	sadd.s32 $0xFFFFFEF7, lr;
	s5 =	simm.s32 $0xFFFFFFFF;
	p2 =	slt.u32 s8, $0xFFFFF086  }
0x1c: {  	p1 =	slt.u32 s9, $0xF7A;
	s5 =	simm.s32 @!p2 $0x0  }
0x1d: {  	s5 =	simm.s32 @p1 $0x1;
	p0 =	seq.s32 s7, s2  }
0x1e: {  	s7 =	smul.u32 @!p0 $0xF7A, s2;
	p2 =	seq.s32 @!p0 s5, $0x0  }
0x1f: {  	s9 =	smul.u32 $0xF7A, s1;
	s8 =	simm.s32 @!p0 $0x1BF5;
	p2 =	por !p2, p0  }
0x20: {  	[sflag:s8] =	ssyncset.s32 @!p0 $0xFFFFF086;
	s6 =	sadd.s32 @!p0 s3, s7;
	s7 =	simm.s32 @!p0 $0x108  }
0x21: {  	s3 =	sadd.s32 s3, s9;
	s6 =	sadd.s32 @!p0 $0x88, s6;
	s7 =	simm.s32 @p2 $0x1082  }
0x22: {  	[simem:s7], [sflag:s8] =	dma.local @!p0 [hbm:s6], $0xF7A  }
0x23: {  	s9 =	sor.u32 $0xD0000000, s2;
	s6 =	simm.s32 $0x108;
	_ =	swait.ge @!p0 [sflag:s8], $0x0  }
0x24: {  	s3 =	sadd.s32 $0x88, s3;
	s6 =	simm.s32 @!p1 $0x1082;
	[sflag:s4] =	ssyncset.s32 $0xFFFFF086  }
0x25: {  	[simem:s6], [sflag:s4] =	dma.local [hbm:s3], $0xF7A  }
0x26: {  	[smem:$0x3FA0] =	sst s1;
	(tag) =	ssettag s2;
	_ =	strace s9  }
0x27: {  	s1 =	sld [smem:$0x3FB0]  }
0x28: {  	s2 =	sld [smem:$0x3FB1]  }
0x29: {  	s4 =	sld [smem:$0x3FB3]  }
0x2a: {  	p0 =	seq.s32 s5, $0x0;
	s5 =	sld [smem:$0x3FB4]  }
0x2b: {  	s6 =	sld [smem:$0x3FB5]  }
0x2c: {  	s7 =	sld [smem:$0x3FB6]  }
0x2d: {  	s3 =	simm.s32 $0x108;
	s8 =	sld [smem:$0x3FB7]  }
0x2e: {  	s3 =	simm.s32 @!p0 $0x1082;
	s9 =	sld [smem:$0x3FB8]  }
0x2f: {  	lr =	sadd.s32 s0, s3;
	s0 =	sld [smem:$0x3FAF]  }
0x30: {  	s3 =	sld [smem:$0x3FB2]  }
0x31: {  	[smem:$0x3FBB] =	sst s10  }
0x32: {  	s10 =	sld [smem:$0x3FB9];
	_ =	sdelay $0x3  }
0x33: {  	p0 =	seq.s32 s10, $0x1;
	s10 =	sld [smem:$0x3FBB];
	_ =	sdelay $0x3  }
0x34: {  	[smem:$0x3FBB] =	sst s10  }
0x35: {  	s10 =	sld [smem:$0x3FBA];
	_ =	sdelay $0x3  }
0x36: {  	p1 =	seq.s32 s10, $0x1;
	s10 =	sld [smem:$0x3FBB];
	_ =	sdelay $0x3  }
0x37: {  	[smem:$0x3FBB] =	sst s10  }
0x38: {  	s10 =	sld [smem:$0x3FBC]  }
0x39: {  	_ = 	snop;
	(pc) =	sbr.ind lr, $3  }
0x3a: {  	_ = 	snop  }
0x3b: {  	_ = 	snop  }
0x3c: {  	p2 =	seq.s32 s10, $0x1;
	s10 =	sld [smem:$0x3FBB]  }
0x3d: {  	_ =	shalt  }
0x3e: {  	_ =	shalt  }
0x3f: {  	_ =	shalt  }
0x40: {  	_ =	shalt  }
0x41: {  	_ =	shalt  }
0x42: {  	_ =	shalt  }
0x43: {  	_ =	shalt  }
0x44: {  	_ =	shalt  }
0x45: {  	_ =	shalt  }
0x46: {  	_ =	shalt  }
0x47: {  	_ =	shalt  }
0x48: {  	_ =	shalt  }
0x49: {  	_ =	shalt  }
0x4a: {  	_ =	shalt  }
0x4b: {  	_ =	shalt  }
0x4c: {  	_ =	shalt  }
0x4d: {  	_ =	shalt  }
0x4e: {  	_ =	shalt  }
0x4f: {  	_ =	shalt  }
0x50: {  	_ =	shalt  }
0x51: {  	_ =	shalt  }
0x52: {  	_ =	shalt  }
0x53: {  	_ =	shalt  }
0x54: {  	_ =	shalt  }
0x55: {  	_ =	shalt  }
0x56: {  	_ =	shalt  }
0x57: {  	_ =	shalt  }
0x58: {  	_ =	shalt  }
0x59: {  	_ =	shalt  }
0x5a: {  	_ =	shalt  }
0x5b: {  	_ =	shalt  }
0x5c: {  	_ =	shalt  }
0x5d: {  	_ =	shalt  }
0x5e: {  	_ =	shalt  }
0x5f: {  	_ =	shalt  }
0x60: {  	_ =	shalt  }
0x61: {  	_ =	shalt  }
0x62: {  	_ =	shalt  }
0x63: {  	_ =	shalt  }
0x64: {  	_ =	shalt  }
0x65: {  	_ =	shalt  }
0x66: {  	_ =	shalt  }
0x67: {  	_ =	shalt  }
0x68: {  	_ =	shalt  }
0x69: {  	_ =	shalt  }
0x6a: {  	_ =	shalt  }
0x6b: {  	_ =	shalt  }
0x6c: {  	_ =	shalt  }
0x6d: {  	_ =	shalt  }
0x6e: {  	_ =	shalt  }
0x6f: {  	_ =	shalt  }
0x70: {  	_ =	shalt  }
0x71: {  	_ =	shalt  }
0x72: {  	_ =	shalt  }
0x73: {  	_ =	shalt  }
0x74: {  	_ =	shalt  }
0x75: {  	_ =	shalt  }
0x76: {  	_ =	shalt  }
0x77: {  	_ =	shalt  }
0x78: {  	_ =	shalt  }
0x79: {  	_ =	shalt  }
0x7a: {  	_ =	shalt  }
0x7b: {  	_ =	shalt  }
0x7c: {  	_ =	shalt  }
0x7d: {  	_ =	shalt  }
0x7e: {  	_ =	shalt  }
0x7f: {  	_ =	shalt  }
0x80: {  	_ =	shalt  }
0x81: {  	_ =	shalt  }
0x82: {  	_ =	shalt  }
0x83: {  	_ =	shalt  }
0x84: {  	_ =	shalt  }
0x85: {  	_ =	shalt  }
0x86: {  	_ =	shalt  }
0x87: {  	_ =	shalt  }
.Lfunc_end0:
.L_simem_size_0:
called_computation_lowered:
.L_overlay_start_0:
0x88: {  	s2 =	sld [smem:$0x3FD9]  }
0x89: {  	s3 =	sld [smem:$0x3FFE];
	_ =	sdelay $0x1  }
0x8a: {  	s1 =	srdreg.scid  }
0x8b: {  	s0 =	sand.u32 $0x1, s1  }
0x8c: {  	s17 =	sshll.u32 s0, $0xA;
	s2 =	sadd.s32 s3, s2  }
0x8d: {  	s2 =	sadd.s32 s2, s17  }
0x8e: {  	[smem:$0x3FC7] =	sst s2  }
0x8f: {  	_ = 	snop  }
0x90: {  	s2 =	sld [smem:$0x3FC9];
	(tm) =	ssettm $0x1  }
0x91: {  	s18 =	sld [smem:$0x3FFB];
	_ =	sdelay $0x3  }
0x92: {  	_ =	strace s18  }
0x93: {  	s3 =	sld [smem:$0x3FFC];
	_ =	sdelay $0x3  }
0x94: {  	_ =	strace s3  }
0x95: {  	s3 =	sld [smem:$0x3FFD];
	_ =	sdelay $0x3  }
0x96: {  	_ =	strace s3  }
0x97: {  	_ =	strace $0x8FFFFFFF  }
0x98: {  	s19 =	sld [smem:$0x3FDB];
	_ =	sdelay $0x1  }
0x99: {  	s4 =	simm.s32 $_scs_section_size  }
0x9a: {  	s5 =	simm.s32 $_size__tile_overlayer_lowered;
	s6 =	simm.s32 $_tile_overlayer_lowered  }
0x9b: {  	s22 =	simm.s32 $0x1BFF;
	s21 =	sshll.u32 s6, $0x1;
	s3 =	sadd.s32 s4, s19  }
0x9c: {  	s7 =	simm.s32 $0x0;
	s20 =	sshll.u32 s5, $0x1;
	s5 =	sadd.s32 s21, s3  }
0x9d: {  	[timem:s7], [sflag:s22] =	dma.local [hbm:s5], s20  }
0x9e: {  	_ =	swait.ge [sflag:s22], s20  }
0x9f: {  	s4 =	ssub.s32 $0x0, s20;
	[sflag:s22] =	ssyncset.done $0x0  }
0xa0: {  	[sflag:s22] =	ssyncadd.s32 s4;
	_ =	sdelay $0x1  }
0xa1: {  	s23 =	simm.s32 $0x1B8B  }
0xa2: {  	_ =	swait.ge [sflag:s23], $0x1  }
0xa3: {  	[sflag:s23] =	ssyncset.done $0x0  }
0xa4: {  	s25 =	simm.s32 $0x1B8E;
	s24 =	sld [smem:$0x3FFE];
	[sflag:s23] =	ssyncadd.s32 $0xFFFFFFFF  }
0xa5: {  	s26 =	simm.s32 $execute0_lowered;
	[smem:$0x3FD2] =	sst s25  }
0xa6: {  	s5 =	sshll.u32 s26, $0x1;
	_ =	strace $0x80000046;
	[dreg:$0x1] =	wrdreg $0xFFFFFFFF  }
0xa7: {  	s28 =	simm.s32 $_size_execute0_lowered;
	s3 =	sadd.s32 s3, s5;
	[dreg:$0x0] =	wrdreg $0x0  }
0xa8: {  	s5 =	sshll.u32 s28, $0x1;
	[dreg:$0x2] =	wrdreg s3  }
0xa9: {  	[dreg:$0x3] =	wrdreg s5  }
0xaa: {  	[dreg:$0x4] =	wrdreg $0xC0  }
0xab: {  	_ =	task [dreg:s7], $0x5FFFF  }
0xac: {  	[dreg:$0x1] =	wrdreg $0xFFFFFFFF  }
0xad: {  	[dreg:$0x0] =	wrdreg $0x60  }
0xae: {  	[dreg:$0x2] =	wrdreg s2  }
0xaf: {  	[dreg:$0x3] =	wrdreg s24  }
0xb0: {  	[dreg:$0x4] =	wrdreg $0x9  }
0xb1: {  	_ =	task.clear_ibuf [dreg:s7], $0x5FFFF;
	_ =	strace $0x90000046  }
0xb2: {  	s29 =	simm.s32 $0x9;
	_ =	strace $0x80000048  }
0xb3: {  	_ =	swait.ge [sflag:s29], $0x1  }
0xb4: {  	[sflag:s29] =	ssyncadd.s32 $0xFFFFFFFF  }
0xb5: {  	_ =	strace $0x90000048  }
0xb6: {  	_ =	sfence  }
0xb7: {  	s30 =	sld [smem:$0x0];
	_ =	sdelay $0x2  }
0xb8: {  	s31 =	sshll.u32 s1, $0xD;
	s1 =	sshrl.u32 s1, $0x2  }
0xb9: {  	s3 =	sand.u32 $0x4000, s31;
	s1 =	sadd.s32 s1, s30  }
0xba: {  	s0 =	sor.u32 s3, s0;
	s1 =	sshll.u32 s1, $0x11  }
0xbb: {  	s0 =	sor.u32 s1, s0  }
0xbc: {  	s0 =	sadd.s32 $0x8F2B, s0  }
0xbd: {  	[sflag:s0] =	ssyncadd.remote.s32 $0x1  }
0xbe: {  	_ =	sfence.sel $0xFFFF  }
0xbf: {  	[dreg:$0x0] =	wrdreg $0xFFFFFFFF;
	(pc) =	sbr.abs _section_cstart, $3  }
0xc0: {  	[dreg:$0x1] =	wrdreg $0xFFFFFFFF  }
0xc1: {  	_ =	task.clear_ibuf [dreg:s7], $0x2FFFF;
	_ =	strace $0x9FFFFFFF  }
0xc2: {  	(tm) =	ssettm $0x7FFFFFFF  }
0xc3: {  	_ =	shalt  }
tec
execute0_lowered:
.L_overlay_start_1:
0x0: {  	(tag) =	ssettag $0x1  }
0x1: {  	s1 =	srdreg.scid;
	s0 =	stileid.u32  }
0x2: {  	s3 =	sand.u32 $0x1, s1;
	s23 =	sshll.u32 s0, $0x1  }
0x3: {  	s5 =	sor.u32 s3, s23  }
0x4: {  	s12 =	smul.u32 $0x190, s5  }
0x5: {  	s4 =	smul.u32 $0x1900, s5;
	s1 =	sor.u32 $0x20, s5  }
0x6: {  	s13 =	smul.u32 $0x190, s1  }
0x7: {  	s8 =	sor.u32 $0x40, s5;
	s7 =	smul.u32 $0x1900, s1  }
0x8: {  	s15 =	smul.u32 $0x190, s8  }
0x9: {  	s10 =	rddreg [dreg:$0x0];
	s9 =	sor.u32 $0x60, s5;
	s8 =	smul.u32 $0x1900, s8  }
0xa: {  	s6 =	rddreg [dreg:$0x1];
	s16 =	smul.u32 $0x190, s9  }
0xb: {  	s2 =	simm.s32 $0x0;
	s14 =	sor.u32 $0x80, s5;
	s9 =	smul.u32 $0x1900, s9  }
0xc: {  	[smem:$0x7FF] =	sst s2;
	s18 =	smul.u32 $0x190, s14  }
0xd: {  	s3 =	ssub.s32 $0x2, s3;
	s26 =	sor.u32 $0xA0, s5;
	s25 =	smul.u32 $0x1900, s14  }
0xe: {  	s11 =	sshll.u32 s5, $0x4;
	s24 =	sshrl.u32 s3, $0x1;
	s20 =	smul.u32 $0x190, s26  }
0xf: {  	s21 =	sor.u32 $0xC0, s5;
	s29 =	smin.u32 s5, $0x19;
	s28 =	smul.u32 $0x1900, s26  }
0x10: {  	s1 =	rddreg [dreg:$0x2];
	_ =	strace $0x80000047;
	s22 =	smul.u32 $0x1900, s21  }
0x11: {  	s17 =	sadd.s32 s11, s6;
	s23 =	sor.u32 $0xE0, s29;
	s21 =	smul.u32 $0x190, s21  }
0x12: {  	s19 =	ssub.s32 s3, s24;
	s14 =	simm.s32 $0xC800;
	s30 =	smul.u32 $0x1900, s23  }
0x13: {  	s3 =	sadd.s32 s10, s4;
	s31 =	smul.u32 $0x190, s23;
	s11 =	sadd.s32 $0x800, s17  }
0x14: {  	v0 =	vmov s12;
	s12 =	sadd.s32 $0xA00, s17;
	s17 =	simm.s32 $0x19000;
	s4 =	sadd.s32 s10, s7  }
0x15: {  	s5 =	sadd.s32 s10, s8;
	s6 =	sadd.s32 s10, s9;
	s7 =	sadd.s32 s10, s25  }
0x16: {  	s8 =	sadd.s32 s10, s28;
	s9 =	sadd.s32 s10, s22;
	v1 =	vmov s13;
	s13 =	smax.u32 s19, $0x1  }
0x17: {  	v2 =	vmov s15;
	v3 =	vmov s16;
	v4 =	vmov s18;
	s15 =	simm.s32 $0x1;
	s16 =	simm.s32 $0x2;
	s18 =	simm.s32 $0x3  }
0x18: {  	v5 =	vmov s20;
	v6 =	vmov s21;
	s19 =	simm.s32 $0x19080;
	s20 =	simm.s32 $0x0;
	s10 =	sadd.s32 s10, s30;
	v7 =	vmov s31  }
.LBB2_1:
0x19: {  	[tilespmem:s2], [sflag:$0x1] =	stream.linear.gather [hbm4b:s3+s2], $0xC800, $0x38;
	[tilespmem:$0x19100] =	vst v63  }
0x1a: {  	_ = 	snop  }
0x1b: {  	[tilespmem:s14], [sflag:$0x2] =	stream.linear.gather [hbm4b:s4+s2], $0xC800, $0x38;
	[tilespmem:$0x19100] =	vst v63  }
0x1c: {  	_ =	swait.ge [sflag:s15], $0xC800  }
0x1d: {  	[sflag:s15] =	ssyncset.done $0x0  }
0x1e: {  	s22 =	simm.s32 $0x80;
	[sflag:s15] =	ssyncadd.s32 $0xFFFF3800  }
0x1f: {  	v9 =	vld [tilespmem:s22+$0x0]  }
0x20: {  	v13 =	vld [tilespmem:s22+$0x10]  }
0x21: {  	v15 =	vld [tilespmem:s22+$0xFFFFFF80]  }
0x22: {  	v16 =	vld [tilespmem:s22+$0xFFFFFF90]  }
0x23: {  	v21 =	vld [tilespmem:s22+$0xFFFFFFB0]  }
0x24: {  	v22 =	vld [tilespmem:s22+$0xFFFFFFC0]  }
0x25: {  	v12 =	vld [tilespmem:s22+$0x20]  }
0x26: {  	v11 =	vimm.f32 $-Inf;
	v10 =	vimm.s32 $0x0;
	v8 =	vor.u32 $0x1, v0;
	v19 =	vld [tilespmem:s22+$0xFFFFFFA0]  }
0x27: {  	v23 =	vimm.s32 $0x0;
	v24 =	vimm.s32 $0x0;
	v26 =	vimm.s32 $0x0;
	v14 =	vld [tilespmem:s22+$0x30]  }
0x28: {  	v25 =	vld [tilespmem:s22+$0x40];
	vm1 =	vgt.f32 v15, v11;
	vm0 =	vgt.f32 v16, v11;
	vm2 =	vgt.f32 v21, v11  }
0x29: {  	v20 =	vld [tilespmem:s22+$0x50];
	vm3 =	vgt.f32 v22, v11;
	v15 =	vsel vm1, v15, v11;
	v16 =	vsel vm0, v16, v11  }
0x2a: {  	v27 =	vld [tilespmem:s22+$0xFFFFFFD0];
	v17 =	vsel vm0, v0, v10;
	v18 =	vsel vm1, v0, v10;
	v32 =	vsel vm2, v21, v11  }
0x2b: {  	v28 =	vld [tilespmem:s22+$0xFFFFFFE0];
	v33 =	vsel vm3, v22, v11;
	v21 =	vimm.f32 $-Inf;
	v22 =	vimm.s32 $0x0  }
0x2c: {  	v30 =	vld [tilespmem:s22+$0xFFFFFFF0];
	vm0 =	vgt.f32 v9, v15;
	vm1 =	vgt.f32 v13, v16;
	vm5 =	vgt.f32 v14, v32  }
0x2d: {  	v29 =	vld [tilespmem:s22+$0x60];
	v16 =	vsel vm1, v13, v16;
	v17 =	vsel vm1, v8, v17;
	vm1 =	vgt.f32 v19, v11  }
0x2e: {  	v31 =	vld [tilespmem:s22+$0x70];
	vm6 =	vgt.f32 v25, v33;
	v9 =	vsel vm0, v9, v15;
	v34 =	vsel vm1, v19, v11  }
0x2f: {  	s21 =	simm.s32 $0x0;
	s22 =	simm.s32 $0x180;
	v13 =	vmovc v0;
	v15 =	vimm.s32 $0x0;
	v19 =	vimm.f32 $-Inf;
	vm4 =	vgt.f32 v12, v34  }
.LBB2_2:
0x30: {  	v35 =	vld [tilespmem:s22+$0x0];
	v34 =	vsel vm4, v12, v34;
	v32 =	vsel vm5, v14, v32;
	v33 =	vsel vm6, v25, v33  }
0x31: {  	vm7 =	vgt.f32 v27, v11;
	vm8 =	vgt.f32 v28, v19;
	v36 =	vld [tilespmem:s22+$0x10];
	vm9 =	vgt.f32 v30, v21  }
0x32: {  	v11 =	vsel vm7, v27, v11;
	v19 =	vsel vm8, v28, v19;
	v12 =	vld [tilespmem:s22+$0x20];
	v21 =	vsel vm9, v30, v21  }
0x33: {  	vm10 =	vgt.f32 v20, v11;
	vm11 =	vgt.f32 v29, v19;
	v14 =	vld [tilespmem:s22+$0x30];
	vm12 =	vgt.f32 v31, v21  }
0x34: {  	v11 =	vsel vm10, v20, v11;
	v19 =	vsel vm11, v29, v19;
	v27 =	vld [tilespmem:s22+$0xFFFFFF80];
	v21 =	vsel vm12, v31, v21  }
0x35: {  	v10 =	vsel vm7, v13, v10;
	v24 =	vsel vm9, v13, v24;
	v20 =	vsel vm8, v13, v23;
	v28 =	vld [tilespmem:s22+$0xFFFFFF90]  }
0x36: {  	v10 =	vsel vm10, v8, v10;
	v23 =	vsel vm11, v8, v20;
	v24 =	vsel vm12, v8, v24;
	v25 =	vld [tilespmem:s22+$0x40]  }
0x37: {  	v15 =	vsel vm2, v13, v15;
	v22 =	vsel vm3, v13, v22;
	v20 =	vsel vm1, v13, v26;
	v31 =	vld [tilespmem:s22+$0xFFFFFFA0]  }
0x38: {  	v15 =	vsel vm5, v8, v15;
	v22 =	vsel vm6, v8, v22;
	v26 =	vsel vm4, v8, v20;
	v37 =	vld [tilespmem:s22+$0xFFFFFFB0]  }
0x39: {  	v18 =	vsel vm0, v8, v18;
	v13 =	vadd.s32 $0x2, v13;
	v38 =	vld [tilespmem:s22+$0xFFFFFFC0]  }
0x3a: {  	s21 =	sadd.s32 $0x2, s21;
	v8 =	vor.u32 $0x1, v13;
	vm0 =	vgt.f32 v27, v9;
	vm1 =	vgt.f32 v28, v16;
	v20 =	vld [tilespmem:s22+$0x50]  }
0x3b: {  	p0 =	slt.u32 s21, $0x18E;
	v9 =	vsel vm0, v27, v9;
	v16 =	vsel vm1, v28, v16;
	v17 =	vsel vm1, v13, v17;
	v27 =	vld [tilespmem:s22+$0xFFFFFFD0]  }
.Ltmp0:
0x3c: {  	v18 =	vsel vm0, v13, v18;
	vm0 =	vgt.f32 v35, v9;
	v28 =	vld [tilespmem:s22+$0xFFFFFFE0];
	vm1 =	vgt.f32 v36, v16;
	(pc) =	sbr.rel @p0 .LBB2_2-.Ltmp0, $4  }
0x3d: {  	v9 =	vsel vm0, v35, v9;
	v30 =	vld [tilespmem:s22+$0xFFFFFFF0];
	v16 =	vsel vm1, v36, v16;
	v17 =	vsel vm1, v8, v17  }
0x3e: {  	vm1 =	vgt.f32 v31, v34;
	vm2 =	vgt.f32 v37, v32;
	vm3 =	vgt.f32 v38, v33;
	v29 =	vld [tilespmem:s22+$0x60]  }
0x3f: {  	v34 =	vsel vm1, v31, v34;
	v32 =	vsel vm2, v37, v32;
	v33 =	vsel vm3, v38, v33;
	v31 =	vld [tilespmem:s22+$0x70]  }
0x40: {  	vm4 =	vgt.f32 v12, v34;
	vm5 =	vgt.f32 v14, v32;
	s22 =	sadd.s32 $0x100, s22;
	vm6 =	vgt.f32 v25, v33  }
0x41: {  	[tilespmem:s2], [sflag:$0x1] =	stream.linear.gather [hbm4b:s5+s2], $0xC800, $0x38;
	[tilespmem:$0x19100] =	vst v63  }
0x42: {  	_ =	swait.ge [sflag:s16], $0xC800  }
0x43: {  	[sflag:s16] =	ssyncset.done $0x0  }
0x44: {  	s22 =	simm.s32 $0xC880;
	[sflag:s16] =	ssyncadd.s32 $0xFFFF3800  }
0x45: {  	v34 =	vsel vm4, v12, v34;
	v32 =	vsel vm5, v14, v32;
	v35 =	vld [tilespmem:s22+$0x0]  }
0x46: {  	v33 =	vsel vm6, v25, v33;
	vm7 =	vgt.f32 v27, v11;
	vm8 =	vgt.f32 v28, v19;
	v36 =	vld [tilespmem:s22+$0x10]  }
0x47: {  	v15 =	vsel vm2, v13, v15;
	v22 =	vsel vm3, v13, v22;
	vm9 =	vgt.f32 v30, v21;
	v25 =	vld [tilespmem:s22+$0x20]  }
0x48: {  	v11 =	vsel vm7, v27, v11;
	v12 =	vsel vm8, v28, v19;
	v14 =	vsel vm9, v30, v21;
	v28 =	vld [tilespmem:s22+$0xFFFFFF80]  }
0x49: {  	v10 =	vsel vm7, v13, v10;
	vm10 =	vgt.f32 v20, v11;
	vm12 =	vgt.f32 v31, v14;
	v30 =	vld [tilespmem:s22+$0xFFFFFF90]  }
0x4a: {  	vm11 =	vgt.f32 v29, v12;
	v19 =	vsel vm10, v20, v11;
	v21 =	vsel vm12, v31, v14;
	v31 =	vld [tilespmem:s22+$0xFFFFFFA0]  }
0x4b: {  	v20 =	vsel vm11, v29, v12;
	v11 =	vsel vm8, v13, v23;
	v12 =	vsel vm9, v13, v24;
	v38 =	vld [tilespmem:s22+$0xFFFFFFC0]  }
0x4c: {  	v10 =	vsel vm10, v8, v10;
	v27 =	vld [tilespmem:s22+$0x30];
	v11 =	vsel vm11, v8, v11;
	v14 =	vsel vm1, v13, v26  }
0x4d: {  	v12 =	vsel vm12, v8, v12;
	v37 =	vld [tilespmem:s22+$0xFFFFFFB0];
	v13 =	vsel vm4, v8, v14;
	v14 =	vsel vm5, v8, v15  }
0x4e: {  	v29 =	vld [tilespmem:s22+$0x40];
	v15 =	vsel vm6, v8, v22;
	v22 =	vsel vm0, v8, v18;
	v18 =	vor.u32 $0x1, v1  }
0x4f: {  	v8 =	vld [tilespmem:s22+$0x50];
	vm0 =	vgt.f32 v28, v9;
	vm1 =	vgt.f32 v30, v16;
	vm3 =	vgt.f32 v31, v34  }
0x50: {  	vm2 =	vgt.f32 v38, v33;
	v23 =	vsel vm0, v28, v9;
	v24 =	vsel vm1, v30, v16;
	v9 =	vld [tilespmem:s22+$0xFFFFFFD0]  }
0x51: {  	v17 =	vsel vm1, v1, v17;
	v26 =	vsel vm0, v1, v22;
	v16 =	vld [tilespmem:s22+$0xFFFFFFE0];
	vm0 =	vgt.f32 v35, v23  }
0x52: {  	v30 =	vld [tilespmem:s22+$0xFFFFFFF0];
	v34 =	vsel vm3, v31, v34;
	vm1 =	vgt.f32 v36, v24;
	v22 =	vsel vm0, v35, v23  }
0x53: {  	v31 =	vld [tilespmem:s22+$0x70];
	v23 =	vsel vm1, v36, v24;
	v24 =	vsel vm1, v18, v17;
	vm1 =	vgt.f32 v37, v32  }
0x54: {  	v33 =	vsel vm2, v38, v33;
	v17 =	vld [tilespmem:s22+$0x60];
	v32 =	vsel vm1, v37, v32  }
0x55: {  	s21 =	simm.s32 $0x0;
	v28 =	vmovc v1;
	vm6 =	vgt.f32 v25, v34;
	vm5 =	vgt.f32 v29, v33;
	s22 =	simm.s32 $0xC980;
	vm4 =	vgt.f32 v27, v32  }
.LBB2_4:
0x56: {  	v35 =	vld [tilespmem:s22+$0x0];
	v34 =	vsel vm6, v25, v34;
	v32 =	vsel vm4, v27, v32;
	v33 =	vsel vm5, v29, v33  }
0x57: {  	vm7 =	vgt.f32 v9, v19;
	vm8 =	vgt.f32 v16, v20;
	v36 =	vld [tilespmem:s22+$0x10];
	vm9 =	vgt.f32 v30, v21  }
0x58: {  	v9 =	vsel vm7, v9, v19;
	v16 =	vsel vm8, v16, v20;
	v25 =	vld [tilespmem:s22+$0x20];
	v21 =	vsel vm9, v30, v21  }
0x59: {  	vm10 =	vgt.f32 v8, v9;
	vm11 =	vgt.f32 v17, v16;
	v27 =	vld [tilespmem:s22+$0x30];
	vm12 =	vgt.f32 v31, v21  }
0x5a: {  	v19 =	vsel vm10, v8, v9;
	v20 =	vsel vm11, v17, v16;
	v30 =	vld [tilespmem:s22+$0xFFFFFF80];
	v21 =	vsel vm12, v31, v21  }
0x5b: {  	v11 =	vsel vm8, v28, v11;
	v12 =	vsel vm9, v28, v12;
	v8 =	vsel vm7, v28, v10;
	v9 =	vld [tilespmem:s22+$0xFFFFFF90]  }
0x5c: {  	v11 =	vsel vm11, v18, v11;
	v10 =	vsel vm10, v18, v8;
	v12 =	vsel vm12, v18, v12;
	v29 =	vld [tilespmem:s22+$0x40]  }
0x5d: {  	v14 =	vsel vm1, v28, v14;
	v15 =	vsel vm2, v28, v15;
	v8 =	vsel vm3, v28, v13;
	v31 =	vld [tilespmem:s22+$0xFFFFFFA0]  }
0x5e: {  	v14 =	vsel vm4, v18, v14;
	v15 =	vsel vm5, v18, v15;
	v13 =	vsel vm6, v18, v8;
	v37 =	vld [tilespmem:s22+$0xFFFFFFB0]  }
0x5f: {  	v16 =	vsel vm0, v18, v26;
	v28 =	vadd.s32 $0x2, v28;
	v38 =	vld [tilespmem:s22+$0xFFFFFFC0]  }
0x60: {  	s21 =	sadd.s32 $0x2, s21;
	v18 =	vor.u32 $0x1, v28;
	vm0 =	vgt.f32 v30, v22;
	vm1 =	vgt.f32 v9, v23;
	v8 =	vld [tilespmem:s22+$0x50]  }
0x61: {  	p0 =	slt.u32 s21, $0x18E;
	v17 =	vsel vm0, v30, v22;
	v23 =	vsel vm1, v9, v23;
	v24 =	vsel vm1, v28, v24;
	v9 =	vld [tilespmem:s22+$0xFFFFFFD0]  }
.Ltmp1:
0x62: {  	v26 =	vsel vm0, v28, v16;
	vm0 =	vgt.f32 v35, v17;
	v16 =	vld [tilespmem:s22+$0xFFFFFFE0];
	vm1 =	vgt.f32 v36, v23;
	(pc) =	sbr.rel @p0 .LBB2_4-.Ltmp1, $4  }
0x63: {  	v22 =	vsel vm0, v35, v17;
	v30 =	vld [tilespmem:s22+$0xFFFFFFF0];
	v23 =	vsel vm1, v36, v23;
	v24 =	vsel vm1, v18, v24  }
0x64: {  	vm3 =	vgt.f32 v31, v34;
	vm1 =	vgt.f32 v37, v32;
	vm2 =	vgt.f32 v38, v33;
	v17 =	vld [tilespmem:s22+$0x60]  }
0x65: {  	v34 =	vsel vm3, v31, v34;
	v32 =	vsel vm1, v37, v32;
	v33 =	vsel vm2, v38, v33;
	v31 =	vld [tilespmem:s22+$0x70]  }
0x66: {  	vm6 =	vgt.f32 v25, v34;
	vm4 =	vgt.f32 v27, v32;
	s22 =	sadd.s32 $0x100, s22;
	vm5 =	vgt.f32 v29, v33  }
0x67: {  	[tilespmem:s14], [sflag:$0x2] =	stream.linear.gather [hbm4b:s6+s2], $0xC800, $0x38;
	[tilespmem:$0x19100] =	vst v63  }
0x68: {  	_ =	swait.ge [sflag:s15], $0xC800  }
0x69: {  	[sflag:s15] =	ssyncset.done $0x0  }
0x6a: {  	v34 =	vsel vm6, v25, v34;
	s22 =	simm.s32 $0x80;
	[sflag:s15] =	ssyncadd.s32 $0xFFFF3800  }
0x6b: {  	v32 =	vsel vm4, v27, v32;
	v33 =	vsel vm5, v29, v33;
	vm7 =	vgt.f32 v9, v19;
	v29 =	vld [tilespmem:s22+$0x0]  }
0x6c: {  	vm8 =	vgt.f32 v16, v20;
	vm9 =	vgt.f32 v30, v21;
	v9 =	vsel vm7, v9, v19;
	v35 =	vld [tilespmem:s22+$0x10]  }
0x6d: {  	v19 =	vsel vm8, v16, v20;
	v20 =	vsel vm9, v30, v21;
	vm10 =	vgt.f32 v8, v9;
	v25 =	vld [tilespmem:s22+$0x20]  }
0x6e: {  	vm11 =	vgt.f32 v17, v19;
	vm12 =	vgt.f32 v31, v20;
	v16 =	vsel vm10, v8, v9;
	v21 =	vld [tilespmem:s22+$0xFFFFFF80]  }
0x6f: {  	v17 =	vsel vm11, v17, v19;
	v8 =	vsel vm7, v28, v10;
	v19 =	vsel vm12, v31, v20;
	v20 =	vld [tilespmem:s22+$0xFFFFFF90]  }
0x70: {  	v9 =	vsel vm8, v28, v11;
	v10 =	vsel vm9, v28, v12;
	v11 =	vsel vm3, v28, v13;
	v31 =	vld [tilespmem:s22+$0xFFFFFFA0]  }
0x71: {  	v12 =	vsel vm1, v28, v14;
	v13 =	vsel vm2, v28, v15;
	v8 =	vsel vm10, v18, v8;
	v27 =	vld [tilespmem:s22+$0x30]  }
0x72: {  	v9 =	vsel vm11, v18, v9;
	v10 =	vsel vm12, v18, v10;
	v11 =	vsel vm6, v18, v11;
	v36 =	vld [tilespmem:s22+$0xFFFFFFB0]  }
0x73: {  	v12 =	vsel vm4, v18, v12;
	v13 =	vsel vm5, v18, v13;
	v18 =	vsel vm0, v18, v26;
	v26 =	vld [tilespmem:s22+$0xFFFFFFC0]  }
0x74: {  	v14 =	vor.u32 $0x1, v2;
	v28 =	vld [tilespmem:s22+$0x40]  }
0x75: {  	v15 =	vld [tilespmem:s22+$0x50];
	vm0 =	vgt.f32 v21, v22;
	vm1 =	vgt.f32 v20, v23;
	vm3 =	vgt.f32 v31, v34  }
0x76: {  	v21 =	vsel vm0, v21, v22;
	v20 =	vsel vm1, v20, v23;
	v30 =	vsel vm1, v2, v24;
	v22 =	vld [tilespmem:s22+$0xFFFFFFD0]  }
0x77: {  	v23 =	vsel vm0, v2, v18;
	v24 =	vld [tilespmem:s22+$0xFFFFFFE0];
	vm0 =	vgt.f32 v29, v21;
	vm1 =	vgt.f32 v35, v20  }
0x78: {  	vm2 =	vgt.f32 v26, v33;
	v18 =	vsel vm0, v29, v21;
	v21 =	vsel vm1, v14, v30;
	v30 =	vld [tilespmem:s22+$0xFFFFFFF0]  }
0x79: {  	v34 =	vsel vm3, v31, v34;
	v31 =	vld [tilespmem:s22+$0x70];
	v20 =	vsel vm1, v35, v20;
	vm1 =	vgt.f32 v36, v32  }
0x7a: {  	v33 =	vsel vm2, v26, v33;
	v29 =	vld [tilespmem:s22+$0x60];
	v32 =	vsel vm1, v36, v32  }
0x7b: {  	s21 =	simm.s32 $0x0;
	v26 =	vmovc v2;
	vm6 =	vgt.f32 v25, v34;
	vm5 =	vgt.f32 v28, v33;
	s22 =	simm.s32 $0x180;
	vm4 =	vgt.f32 v27, v32  }
.LBB2_6:
0x7c: {  	v35 =	vld [tilespmem:s22+$0x0];
	v34 =	vsel vm6, v25, v34;
	v32 =	vsel vm4, v27, v32;
	v33 =	vsel vm5, v28, v33  }
0x7d: {  	vm7 =	vgt.f32 v22, v16;
	vm8 =	vgt.f32 v24, v17;
	v36 =	vld [tilespmem:s22+$0x10];
	vm9 =	vgt.f32 v30, v19  }
0x7e: {  	v16 =	vsel vm7, v22, v16;
	v17 =	vsel vm8, v24, v17;
	v25 =	vld [tilespmem:s22+$0x20];
	v19 =	vsel vm9, v30, v19  }
0x7f: {  	vm10 =	vgt.f32 v15, v16;
	vm11 =	vgt.f32 v29, v17;
	v27 =	vld [tilespmem:s22+$0x30];
	vm12 =	vgt.f32 v31, v19  }
0x80: {  	v16 =	vsel vm10, v15, v16;
	v17 =	vsel vm11, v29, v17;
	v22 =	vld [tilespmem:s22+$0xFFFFFF80];
	v19 =	vsel vm12, v31, v19  }
0x81: {  	v8 =	vsel vm7, v26, v8;
	v9 =	vsel vm8, v26, v9;
	v10 =	vsel vm9, v26, v10;
	v24 =	vld [tilespmem:s22+$0xFFFFFF90]  }
0x82: {  	v8 =	vsel vm10, v14, v8;
	v9 =	vsel vm11, v14, v9;
	v10 =	vsel vm12, v14, v10;
	v28 =	vld [tilespmem:s22+$0x40]  }
0x83: {  	v11 =	vsel vm3, v26, v11;
	v12 =	vsel vm1, v26, v12;
	v13 =	vsel vm2, v26, v13;
	v31 =	vld [tilespmem:s22+$0xFFFFFFA0]  }
0x84: {  	v11 =	vsel vm6, v14, v11;
	v12 =	vsel vm4, v14, v12;
	v13 =	vsel vm5, v14, v13;
	v37 =	vld [tilespmem:s22+$0xFFFFFFB0]  }
0x85: {  	v23 =	vsel vm0, v14, v23;
	v26 =	vadd.s32 $0x2, v26;
	v38 =	vld [tilespmem:s22+$0xFFFFFFC0]  }
0x86: {  	s21 =	sadd.s32 $0x2, s21;
	v14 =	vor.u32 $0x1, v26;
	vm0 =	vgt.f32 v22, v18;
	vm1 =	vgt.f32 v24, v20;
	v15 =	vld [tilespmem:s22+$0x50]  }
0x87: {  	p0 =	slt.u32 s21, $0x18E;
	v18 =	vsel vm0, v22, v18;
	v20 =	vsel vm1, v24, v20;
	v21 =	vsel vm1, v26, v21;
	v22 =	vld [tilespmem:s22+$0xFFFFFFD0]  }
.Ltmp2:
0x88: {  	v23 =	vsel vm0, v26, v23;
	vm0 =	vgt.f32 v35, v18;
	v24 =	vld [tilespmem:s22+$0xFFFFFFE0];
	vm1 =	vgt.f32 v36, v20;
	(pc) =	sbr.rel @p0 .LBB2_6-.Ltmp2, $4  }
0x89: {  	v18 =	vsel vm0, v35, v18;
	v30 =	vld [tilespmem:s22+$0xFFFFFFF0];
	v20 =	vsel vm1, v36, v20;
	v21 =	vsel vm1, v14, v21  }
0x8a: {  	vm3 =	vgt.f32 v31, v34;
	vm1 =	vgt.f32 v37, v32;
	vm2 =	vgt.f32 v38, v33;
	v29 =	vld [tilespmem:s22+$0x60]  }
0x8b: {  	v34 =	vsel vm3, v31, v34;
	v32 =	vsel vm1, v37, v32;
	v33 =	vsel vm2, v38, v33;
	v31 =	vld [tilespmem:s22+$0x70]  }
0x8c: {  	vm6 =	vgt.f32 v25, v34;
	vm4 =	vgt.f32 v27, v32;
	s22 =	sadd.s32 $0x100, s22;
	vm5 =	vgt.f32 v28, v33  }
0x8d: {  	[tilespmem:s2], [sflag:$0x1] =	stream.linear.gather [hbm4b:s7+s2], $0xC800, $0x38;
	[tilespmem:$0x19100] =	vst v63  }
0x8e: {  	_ =	swait.ge [sflag:s16], $0xC800  }
0x8f: {  	[sflag:s16] =	ssyncset.done $0x0  }
0x90: {  	s22 =	simm.s32 $0xC880;
	[sflag:s16] =	ssyncadd.s32 $0xFFFF3800  }
0x91: {  	v33 =	vsel vm5, v28, v33;
	v63 =	vld [tilespmem:s22+$0x0]  }
0x92: {  	vm7 =	vgt.f32 v22, v16;
	vm8 =	vgt.f32 v24, v17;
	vm9 =	vgt.f32 v30, v19;
	v35 =	vld [tilespmem:s22+$0x10]  }
0x93: {  	v16 =	vsel vm7, v22, v16;
	v17 =	vsel vm8, v24, v17;
	v19 =	vsel vm9, v30, v19;
	v22 =	vld [tilespmem:s22+$0x20]  }
0x94: {  	vm10 =	vgt.f32 v15, v16;
	vm11 =	vgt.f32 v29, v17;
	vm12 =	vgt.f32 v31, v19;
	v28 =	vld [tilespmem:s22+$0xFFFFFF80]  }
0x95: {  	v15 =	vsel vm10, v15, v16;
	v16 =	vsel vm11, v29, v17;
	v17 =	vsel vm12, v31, v19;
	v19 =	vld [tilespmem:s22+$0xFFFFFF90]  }
0x96: {  	v25 =	vsel vm6, v25, v34;
	v32 =	vsel vm4, v27, v32;
	v11 =	vsel vm3, v26, v11;
	v31 =	vld [tilespmem:s22+$0xFFFFFFA0]  }
0x97: {  	v12 =	vsel vm1, v26, v12;
	v13 =	vsel vm2, v26, v13;
	v23 =	vsel vm0, v14, v23;
	v37 =	vld [tilespmem:s22+$0xFFFFFFC0]  }
0x98: {  	v8 =	vsel vm7, v26, v8;
	v9 =	vsel vm8, v26, v9;
	v11 =	vsel vm6, v14, v11;
	v24 =	vld [tilespmem:s22+$0x30]  }
0x99: {  	v12 =	vsel vm4, v14, v12;
	v13 =	vsel vm5, v14, v13;
	v10 =	vsel vm9, v26, v10;
	v36 =	vld [tilespmem:s22+$0xFFFFFFB0]  }
0x9a: {  	v8 =	vsel vm10, v14, v8;
	v9 =	vsel vm11, v14, v9;
	v10 =	vsel vm12, v14, v10;
	v27 =	vld [tilespmem:s22+$0x40]  }
0x9b: {  	v14 =	vor.u32 $0x1, v3;
	v26 =	vld [tilespmem:s22+$0x50];
	vm0 =	vgt.f32 v28, v18;
	vm1 =	vgt.f32 v19, v20  }
0x9c: {  	v30 =	vld [tilespmem:s22+$0xFFFFFFF0];
	vm3 =	vgt.f32 v31, v25;
	vm2 =	vgt.f32 v37, v33;
	v18 =	vsel vm0, v28, v18  }
0x9d: {  	v19 =	vsel vm1, v19, v20;
	v20 =	vsel vm1, v3, v21;
	v21 =	vld [tilespmem:s22+$0xFFFFFFD0];
	v23 =	vsel vm0, v3, v23  }
0x9e: {  	v28 =	vld [tilespmem:s22+$0xFFFFFFE0];
	v34 =	vsel vm3, v31, v25;
	v33 =	vsel vm2, v37, v33;
	vm1 =	vgt.f32 v35, v19  }
0x9f: {  	v29 =	vld [tilespmem:s22+$0x60];
	v19 =	vsel vm1, v35, v19;
	v20 =	vsel vm1, v14, v20;
	vm1 =	vgt.f32 v36, v32  }
0xa0: {  	v31 =	vld [tilespmem:s22+$0x70];
	vm0 =	vgt.f32 v63, v18;
	vm6 =	vgt.f32 v22, v34;
	v32 =	vsel vm1, v36, v32  }
0xa1: {  	s21 =	simm.s32 $0x0;
	s22 =	simm.s32 $0xC980;
	v25 =	vmovc v3;
	vm5 =	vgt.f32 v27, v33;
	v18 =	vsel vm0, v63, v18;
	vm4 =	vgt.f32 v24, v32  }
.LBB2_8:
0xa2: {  	v35 =	vld [tilespmem:s22+$0x0];
	v34 =	vsel vm6, v22, v34;
	v32 =	vsel vm4, v24, v32;
	v33 =	vsel vm5, v27, v33  }
0xa3: {  	vm7 =	vgt.f32 v21, v15;
	vm8 =	vgt.f32 v28, v16;
	v36 =	vld [tilespmem:s22+$0x10];
	vm9 =	vgt.f32 v30, v17  }
0xa4: {  	v15 =	vsel vm7, v21, v15;
	v16 =	vsel vm8, v28, v16;
	v22 =	vld [tilespmem:s22+$0x20];
	v17 =	vsel vm9, v30, v17  }
0xa5: {  	vm10 =	vgt.f32 v26, v15;
	vm11 =	vgt.f32 v29, v16;
	v24 =	vld [tilespmem:s22+$0x30];
	vm12 =	vgt.f32 v31, v17  }
0xa6: {  	v15 =	vsel vm10, v26, v15;
	v16 =	vsel vm11, v29, v16;
	v21 =	vld [tilespmem:s22+$0xFFFFFF80];
	v17 =	vsel vm12, v31, v17  }
0xa7: {  	v8 =	vsel vm7, v25, v8;
	v9 =	vsel vm8, v25, v9;
	v10 =	vsel vm9, v25, v10;
	v28 =	vld [tilespmem:s22+$0xFFFFFF90]  }
0xa8: {  	v8 =	vsel vm10, v14, v8;
	v9 =	vsel vm11, v14, v9;
	v10 =	vsel vm12, v14, v10;
	v27 =	vld [tilespmem:s22+$0x40]  }
0xa9: {  	v11 =	vsel vm3, v25, v11;
	v12 =	vsel vm1, v25, v12;
	v13 =	vsel vm2, v25, v13;
	v31 =	vld [tilespmem:s22+$0xFFFFFFA0]  }
0xaa: {  	v11 =	vsel vm6, v14, v11;
	v12 =	vsel vm4, v14, v12;
	v13 =	vsel vm5, v14, v13;
	v37 =	vld [tilespmem:s22+$0xFFFFFFB0]  }
0xab: {  	v23 =	vsel vm0, v14, v23;
	v25 =	vadd.s32 $0x2, v25;
	v38 =	vld [tilespmem:s22+$0xFFFFFFC0]  }
0xac: {  	s21 =	sadd.s32 $0x2, s21;
	v14 =	vor.u32 $0x1, v25;
	vm0 =	vgt.f32 v21, v18;
	vm1 =	vgt.f32 v28, v19;
	v26 =	vld [tilespmem:s22+$0x50]  }
0xad: {  	p0 =	slt.u32 s21, $0x18E;
	v18 =	vsel vm0, v21, v18;
	v19 =	vsel vm1, v28, v19;
	v20 =	vsel vm1, v25, v20;
	v21 =	vld [tilespmem:s22+$0xFFFFFFD0]  }
.Ltmp3:
0xae: {  	v23 =	vsel vm0, v25, v23;
	vm0 =	vgt.f32 v35, v18;
	v28 =	vld [tilespmem:s22+$0xFFFFFFE0];
	vm1 =	vgt.f32 v36, v19;
	(pc) =	sbr.rel @p0 .LBB2_8-.Ltmp3, $4  }
0xaf: {  	v18 =	vsel vm0, v35, v18;
	v30 =	vld [tilespmem:s22+$0xFFFFFFF0];
	v19 =	vsel vm1, v36, v19;
	v20 =	vsel vm1, v14, v20  }
0xb0: {  	vm3 =	vgt.f32 v31, v34;
	vm1 =	vgt.f32 v37, v32;
	vm2 =	vgt.f32 v38, v33;
	v29 =	vld [tilespmem:s22+$0x60]  }
0xb1: {  	v34 =	vsel vm3, v31, v34;
	v32 =	vsel vm1, v37, v32;
	v33 =	vsel vm2, v38, v33;
	v31 =	vld [tilespmem:s22+$0x70]  }
0xb2: {  	vm6 =	vgt.f32 v22, v34;
	vm4 =	vgt.f32 v24, v32;
	s22 =	sadd.s32 $0x100, s22;
	vm5 =	vgt.f32 v27, v33  }
0xb3: {  	[tilespmem:s14], [sflag:$0x2] =	stream.linear.gather [hbm4b:s8+s2], $0xC800, $0x38;
	[tilespmem:$0x19100] =	vst v63  }
0xb4: {  	_ =	swait.ge [sflag:s15], $0xC800  }
0xb5: {  	[sflag:s15] =	ssyncset.done $0x0  }
0xb6: {  	s22 =	simm.s32 $0x80;
	[sflag:s15] =	ssyncadd.s32 $0xFFFF3800  }
0xb7: {  	v34 =	vsel vm6, v22, v34;
	v35 =	vld [tilespmem:s22+$0x0]  }
0xb8: {  	v32 =	vsel vm4, v24, v32;
	v33 =	vsel vm5, v27, v33;
	vm7 =	vgt.f32 v21, v15;
	v36 =	vld [tilespmem:s22+$0x10]  }
0xb9: {  	vm8 =	vgt.f32 v28, v16;
	vm9 =	vgt.f32 v30, v17;
	v15 =	vsel vm7, v21, v15;
	v21 =	vld [tilespmem:s22+$0x20]  }
0xba: {  	v11 =	vsel vm3, v25, v11;
	v12 =	vsel vm1, v25, v12;
	v17 =	vsel vm9, v30, v17;
	v22 =	vld [tilespmem:s22+$0xFFFFFF80]  }
0xbb: {  	v13 =	vsel vm2, v25, v13;
	v16 =	vsel vm8, v28, v16;
	vm12 =	vgt.f32 v31, v17;
	v27 =	vld [tilespmem:s22+$0xFFFFFF90]  }
0xbc: {  	v8 =	vsel vm7, v25, v8;
	v9 =	vsel vm8, v25, v9;
	v17 =	vsel vm12, v31, v17;
	v31 =	vld [tilespmem:s22+$0xFFFFFFA0]  }
0xbd: {  	v11 =	vsel vm6, v14, v11;
	v12 =	vsel vm4, v14, v12;
	v13 =	vsel vm5, v14, v13;
	v37 =	vld [tilespmem:s22+$0xFFFFFFC0]  }
0xbe: {  	v28 =	vsel vm0, v14, v23;
	vm10 =	vgt.f32 v26, v15;
	vm11 =	vgt.f32 v29, v16;
	v24 =	vld [tilespmem:s22+$0x30]  }
0xbf: {  	v10 =	vsel vm9, v25, v10;
	v15 =	vsel vm10, v26, v15;
	v16 =	vsel vm11, v29, v16;
	v25 =	vld [tilespmem:s22+$0xFFFFFFB0]  }
0xc0: {  	v8 =	vsel vm10, v14, v8;
	v9 =	vsel vm11, v14, v9;
	v10 =	vsel vm12, v14, v10;
	v26 =	vld [tilespmem:s22+$0x40]  }
0xc1: {  	v14 =	vor.u32 $0x1, v4;
	v23 =	vld [tilespmem:s22+$0x50];
	vm0 =	vgt.f32 v22, v18;
	vm1 =	vgt.f32 v27, v19  }
0xc2: {  	v30 =	vld [tilespmem:s22+$0xFFFFFFF0];
	vm3 =	vgt.f32 v31, v34;
	vm2 =	vgt.f32 v37, v33;
	v18 =	vsel vm0, v22, v18  }
0xc3: {  	v19 =	vsel vm1, v27, v19;
	v20 =	vsel vm1, v4, v20;
	v27 =	vld [tilespmem:s22+$0xFFFFFFD0];
	v22 =	vsel vm0, v4, v28  }
0xc4: {  	v28 =	vld [tilespmem:s22+$0xFFFFFFE0];
	v34 =	vsel vm3, v31, v34;
	v33 =	vsel vm2, v37, v33;
	vm1 =	vgt.f32 v36, v19  }
0xc5: {  	v29 =	vld [tilespmem:s22+$0x60];
	v19 =	vsel vm1, v36, v19;
	v20 =	vsel vm1, v14, v20;
	vm1 =	vgt.f32 v25, v32  }
0xc6: {  	v31 =	vld [tilespmem:s22+$0x70];
	vm0 =	vgt.f32 v35, v18;
	vm6 =	vgt.f32 v21, v34;
	v32 =	vsel vm1, v25, v32  }
0xc7: {  	s21 =	simm.s32 $0x0;
	s22 =	simm.s32 $0x180;
	vm5 =	vgt.f32 v26, v33;
	v18 =	vsel vm0, v35, v18;
	v25 =	vmovc v4;
	vm4 =	vgt.f32 v24, v32  }
.LBB2_10:
0xc8: {  	v35 =	vld [tilespmem:s22+$0x0];
	v34 =	vsel vm6, v21, v34;
	v32 =	vsel vm4, v24, v32;
	v33 =	vsel vm5, v26, v33  }
0xc9: {  	vm7 =	vgt.f32 v27, v15;
	vm8 =	vgt.f32 v28, v16;
	v36 =	vld [tilespmem:s22+$0x10];
	vm9 =	vgt.f32 v30, v17  }
0xca: {  	v15 =	vsel vm7, v27, v15;
	v16 =	vsel vm8, v28, v16;
	v21 =	vld [tilespmem:s22+$0x20];
	v17 =	vsel vm9, v30, v17  }
0xcb: {  	vm10 =	vgt.f32 v23, v15;
	vm11 =	vgt.f32 v29, v16;
	v24 =	vld [tilespmem:s22+$0x30];
	vm12 =	vgt.f32 v31, v17  }
0xcc: {  	v15 =	vsel vm10, v23, v15;
	v16 =	vsel vm11, v29, v16;
	v27 =	vld [tilespmem:s22+$0xFFFFFF80];
	v17 =	vsel vm12, v31, v17  }
0xcd: {  	v8 =	vsel vm7, v25, v8;
	v9 =	vsel vm8, v25, v9;
	v10 =	vsel vm9, v25, v10;
	v28 =	vld [tilespmem:s22+$0xFFFFFF90]  }
0xce: {  	v8 =	vsel vm10, v14, v8;
	v9 =	vsel vm11, v14, v9;
	v10 =	vsel vm12, v14, v10;
	v26 =	vld [tilespmem:s22+$0x40]  }
0xcf: {  	v11 =	vsel vm3, v25, v11;
	v12 =	vsel vm1, v25, v12;
	v13 =	vsel vm2, v25, v13;
	v31 =	vld [tilespmem:s22+$0xFFFFFFA0]  }
0xd0: {  	v11 =	vsel vm6, v14, v11;
	v12 =	vsel vm4, v14, v12;
	v13 =	vsel vm5, v14, v13;
	v37 =	vld [tilespmem:s22+$0xFFFFFFB0]  }
0xd1: {  	v22 =	vsel vm0, v14, v22;
	v25 =	vadd.s32 $0x2, v25;
	v38 =	vld [tilespmem:s22+$0xFFFFFFC0]  }
0xd2: {  	s21 =	sadd.s32 $0x2, s21;
	v14 =	vor.u32 $0x1, v25;
	vm0 =	vgt.f32 v27, v18;
	vm1 =	vgt.f32 v28, v19;
	v23 =	vld [tilespmem:s22+$0x50]  }
0xd3: {  	p0 =	slt.u32 s21, $0x18E;
	v18 =	vsel vm0, v27, v18;
	v19 =	vsel vm1, v28, v19;
	v20 =	vsel vm1, v25, v20;
	v27 =	vld [tilespmem:s22+$0xFFFFFFD0]  }
.Ltmp4:
0xd4: {  	v22 =	vsel vm0, v25, v22;
	vm0 =	vgt.f32 v35, v18;
	v28 =	vld [tilespmem:s22+$0xFFFFFFE0];
	vm1 =	vgt.f32 v36, v19;
	(pc) =	sbr.rel @p0 .LBB2_10-.Ltmp4, $4  }
0xd5: {  	v18 =	vsel vm0, v35, v18;
	v30 =	vld [tilespmem:s22+$0xFFFFFFF0];
	v19 =	vsel vm1, v36, v19;
	v20 =	vsel vm1, v14, v20  }
0xd6: {  	vm3 =	vgt.f32 v31, v34;
	vm1 =	vgt.f32 v37, v32;
	vm2 =	vgt.f32 v38, v33;
	v29 =	vld [tilespmem:s22+$0x60]  }
0xd7: {  	v34 =	vsel vm3, v31, v34;
	v32 =	vsel vm1, v37, v32;
	v33 =	vsel vm2, v38, v33;
	v31 =	vld [tilespmem:s22+$0x70]  }
0xd8: {  	vm6 =	vgt.f32 v21, v34;
	vm4 =	vgt.f32 v24, v32;
	s22 =	sadd.s32 $0x100, s22;
	vm5 =	vgt.f32 v26, v33  }
0xd9: {  	[tilespmem:s2], [sflag:$0x1] =	stream.linear.gather [hbm4b:s9+s2], $0xC800, $0x38;
	[tilespmem:$0x19100] =	vst v63  }
0xda: {  	_ =	swait.ge [sflag:s16], $0xC800  }
0xdb: {  	[sflag:s16] =	ssyncset.done $0x0  }
0xdc: {  	s22 =	simm.s32 $0xC880;
	[sflag:s16] =	ssyncadd.s32 $0xFFFF3800  }
0xdd: {  	v34 =	vsel vm6, v21, v34;
	v63 =	vld [tilespmem:s22+$0x0]  }
0xde: {  	v32 =	vsel vm4, v24, v32;
	v26 =	vsel vm5, v26, v33;
	vm7 =	vgt.f32 v27, v15;
	v35 =	vld [tilespmem:s22+$0x10]  }
0xdf: {  	vm8 =	vgt.f32 v28, v16;
	v11 =	vsel vm3, v25, v11;
	vm9 =	vgt.f32 v30, v17;
	v21 =	vld [tilespmem:s22+$0x20]  }
0xe0: {  	v12 =	vsel vm1, v25, v12;
	v13 =	vsel vm2, v25, v13;
	v17 =	vsel vm9, v30, v17;
	v24 =	vld [tilespmem:s22+$0xFFFFFF80]  }
0xe1: {  	v15 =	vsel vm7, v27, v15;
	v16 =	vsel vm8, v28, v16;
	vm12 =	vgt.f32 v31, v17;
	v27 =	vld [tilespmem:s22+$0xFFFFFF90]  }
0xe2: {  	v8 =	vsel vm7, v25, v8;
	v9 =	vsel vm8, v25, v9;
	v17 =	vsel vm12, v31, v17;
	v31 =	vld [tilespmem:s22+$0xFFFFFFA0]  }
0xe3: {  	v11 =	vsel vm6, v14, v11;
	v12 =	vsel vm4, v14, v12;
	vm10 =	vgt.f32 v23, v15;
	v37 =	vld [tilespmem:s22+$0xFFFFFFC0]  }
0xe4: {  	v13 =	vsel vm5, v14, v13;
	vm11 =	vgt.f32 v29, v16;
	v15 =	vsel vm10, v23, v15;
	v23 =	vld [tilespmem:s22+$0x30]  }
0xe5: {  	v28 =	vsel vm0, v14, v22;
	v10 =	vsel vm9, v25, v10;
	v16 =	vsel vm11, v29, v16;
	v36 =	vld [tilespmem:s22+$0xFFFFFFB0]  }
0xe6: {  	v8 =	vsel vm10, v14, v8;
	v9 =	vsel vm11, v14, v9;
	v10 =	vsel vm12, v14, v10;
	v25 =	vld [tilespmem:s22+$0x40]  }
0xe7: {  	v14 =	vor.u32 $0x1, v5;
	v22 =	vld [tilespmem:s22+$0x50];
	vm0 =	vgt.f32 v24, v18;
	vm1 =	vgt.f32 v27, v19  }
0xe8: {  	v30 =	vld [tilespmem:s22+$0xFFFFFFF0];
	vm3 =	vgt.f32 v31, v34;
	vm2 =	vgt.f32 v37, v26;
	v18 =	vsel vm0, v24, v18  }
0xe9: {  	v19 =	vsel vm1, v27, v19;
	v20 =	vsel vm1, v5, v20;
	v27 =	vld [tilespmem:s22+$0xFFFFFFD0];
	v24 =	vsel vm0, v5, v28  }
0xea: {  	v28 =	vld [tilespmem:s22+$0xFFFFFFE0];
	v34 =	vsel vm3, v31, v34;
	v33 =	vsel vm2, v37, v26;
	vm1 =	vgt.f32 v35, v19  }
0xeb: {  	v29 =	vld [tilespmem:s22+$0x60];
	v19 =	vsel vm1, v35, v19;
	v20 =	vsel vm1, v14, v20;
	vm1 =	vgt.f32 v36, v32  }
0xec: {  	v31 =	vld [tilespmem:s22+$0x70];
	vm0 =	vgt.f32 v63, v18;
	vm6 =	vgt.f32 v21, v34;
	v32 =	vsel vm1, v36, v32  }
0xed: {  	s21 =	simm.s32 $0x0;
	s22 =	simm.s32 $0xC980;
	v26 =	vmovc v5;
	vm5 =	vgt.f32 v25, v33;
	v18 =	vsel vm0, v63, v18;
	vm4 =	vgt.f32 v23, v32  }
.LBB2_12:
0xee: {  	v35 =	vld [tilespmem:s22+$0x0];
	v34 =	vsel vm6, v21, v34;
	v32 =	vsel vm4, v23, v32;
	v33 =	vsel vm5, v25, v33  }
0xef: {  	vm7 =	vgt.f32 v27, v15;
	vm8 =	vgt.f32 v28, v16;
	v36 =	vld [tilespmem:s22+$0x10];
	vm9 =	vgt.f32 v30, v17  }
0xf0: {  	v15 =	vsel vm7, v27, v15;
	v16 =	vsel vm8, v28, v16;
	v21 =	vld [tilespmem:s22+$0x20];
	v17 =	vsel vm9, v30, v17  }
0xf1: {  	vm10 =	vgt.f32 v22, v15;
	vm11 =	vgt.f32 v29, v16;
	v23 =	vld [tilespmem:s22+$0x30];
	vm12 =	vgt.f32 v31, v17  }
0xf2: {  	v15 =	vsel vm10, v22, v15;
	v16 =	vsel vm11, v29, v16;
	v27 =	vld [tilespmem:s22+$0xFFFFFF80];
	v17 =	vsel vm12, v31, v17  }
0xf3: {  	v8 =	vsel vm7, v26, v8;
	v9 =	vsel vm8, v26, v9;
	v10 =	vsel vm9, v26, v10;
	v28 =	vld [tilespmem:s22+$0xFFFFFF90]  }
0xf4: {  	v8 =	vsel vm10, v14, v8;
	v9 =	vsel vm11, v14, v9;
	v10 =	vsel vm12, v14, v10;
	v25 =	vld [tilespmem:s22+$0x40]  }
0xf5: {  	v11 =	vsel vm3, v26, v11;
	v12 =	vsel vm1, v26, v12;
	v13 =	vsel vm2, v26, v13;
	v31 =	vld [tilespmem:s22+$0xFFFFFFA0]  }
0xf6: {  	v11 =	vsel vm6, v14, v11;
	v12 =	vsel vm4, v14, v12;
	v13 =	vsel vm5, v14, v13;
	v37 =	vld [tilespmem:s22+$0xFFFFFFB0]  }
0xf7: {  	v24 =	vsel vm0, v14, v24;
	v26 =	vadd.s32 $0x2, v26;
	v38 =	vld [tilespmem:s22+$0xFFFFFFC0]  }
0xf8: {  	s21 =	sadd.s32 $0x2, s21;
	v14 =	vor.u32 $0x1, v26;
	vm0 =	vgt.f32 v27, v18;
	vm1 =	vgt.f32 v28, v19;
	v22 =	vld [tilespmem:s22+$0x50]  }
0xf9: {  	p0 =	slt.u32 s21, $0x18E;
	v18 =	vsel vm0, v27, v18;
	v19 =	vsel vm1, v28, v19;
	v20 =	vsel vm1, v26, v20;
	v27 =	vld [tilespmem:s22+$0xFFFFFFD0]  }
.Ltmp5:
0xfa: {  	v24 =	vsel vm0, v26, v24;
	vm0 =	vgt.f32 v35, v18;
	v28 =	vld [tilespmem:s22+$0xFFFFFFE0];
	vm1 =	vgt.f32 v36, v19;
	(pc) =	sbr.rel @p0 .LBB2_12-.Ltmp5, $4  }
0xfb: {  	v18 =	vsel vm0, v35, v18;
	v30 =	vld [tilespmem:s22+$0xFFFFFFF0];
	v19 =	vsel vm1, v36, v19;
	v20 =	vsel vm1, v14, v20  }
0xfc: {  	vm3 =	vgt.f32 v31, v34;
	vm1 =	vgt.f32 v37, v32;
	vm2 =	vgt.f32 v38, v33;
	v29 =	vld [tilespmem:s22+$0x60]  }
0xfd: {  	v34 =	vsel vm3, v31, v34;
	v32 =	vsel vm1, v37, v32;
	v33 =	vsel vm2, v38, v33;
	v31 =	vld [tilespmem:s22+$0x70]  }
0xfe: {  	vm6 =	vgt.f32 v21, v34;
	vm4 =	vgt.f32 v23, v32;
	s22 =	sadd.s32 $0x100, s22;
	vm5 =	vgt.f32 v25, v33  }
0xff: {  	[tilespmem:s14], [sflag:$0x2] =	stream.linear.gather [hbm4b:s10+s2], $0xC800, $0x38;
	[tilespmem:$0x19100] =	vst v63  }
0x100: {  	_ =	swait.ge [sflag:s15], $0xC800  }
0x101: {  	[sflag:s15] =	ssyncset.done $0x0  }
0x102: {  	s22 =	simm.s32 $0x80;
	[sflag:s15] =	ssyncadd.s32 $0xFFFF3800  }
0x103: {  	v34 =	vsel vm6, v21, v34;
	vm7 =	vgt.f32 v27, v15;
	v35 =	vld [tilespmem:s22+$0x0]  }
0x104: {  	v32 =	vsel vm4, v23, v32;
	vm8 =	vgt.f32 v28, v16;
	v15 =	vsel vm7, v27, v15;
	v27 =	vld [tilespmem:s22+$0x10]  }
0x105: {  	v33 =	vsel vm5, v25, v33;
	vm9 =	vgt.f32 v30, v17;
	v16 =	vsel vm8, v28, v16;
	v25 =	vld [tilespmem:s22+$0x20]  }
0x106: {  	v17 =	vsel vm9, v30, v17;
	vm10 =	vgt.f32 v22, v15;
	vm11 =	vgt.f32 v29, v16;
	v28 =	vld [tilespmem:s22+$0xFFFFFF80]  }
0x107: {  	vm12 =	vgt.f32 v31, v17;
	v21 =	vsel vm10, v22, v15;
	v22 =	vsel vm11, v29, v16;
	v29 =	vld [tilespmem:s22+$0xFFFFFF90]  }
0x108: {  	v11 =	vsel vm3, v26, v11;
	v12 =	vsel vm1, v26, v12;
	v23 =	vsel vm12, v31, v17;
	v31 =	vld [tilespmem:s22+$0xFFFFFFA0]  }
0x109: {  	v24 =	vsel vm0, v14, v24;
	v8 =	vsel vm7, v26, v8;
	v15 =	vsel vm8, v26, v9;
	v37 =	vld [tilespmem:s22+$0xFFFFFFC0]  }
0x10a: {  	v16 =	vsel vm9, v26, v10;
	v8 =	vsel vm10, v14, v8;
	v9 =	vld [tilespmem:s22+$0x30];
	v10 =	vsel vm11, v14, v15  }
0x10b: {  	v15 =	vsel vm12, v14, v16;
	v17 =	vsel vm2, v26, v13;
	v13 =	vsel vm6, v14, v11;
	v36 =	vld [tilespmem:s22+$0xFFFFFFB0]  }
0x10c: {  	v16 =	vsel vm4, v14, v12;
	v12 =	vld [tilespmem:s22+$0x40];
	v17 =	vsel vm5, v14, v17;
	v14 =	vor.u32 $0x1, v6  }
0x10d: {  	v11 =	vld [tilespmem:s22+$0x50];
	vm0 =	vgt.f32 v28, v18;
	vm1 =	vgt.f32 v29, v19;
	vm3 =	vgt.f32 v31, v34  }
0x10e: {  	vm2 =	vgt.f32 v37, v33;
	v30 =	vsel vm0, v28, v18;
	v29 =	vsel vm1, v29, v19;
	v18 =	vld [tilespmem:s22+$0xFFFFFFD0]  }
0x10f: {  	v38 =	vsel vm1, v6, v20;
	v26 =	vsel vm0, v6, v24;
	v28 =	vld [tilespmem:s22+$0xFFFFFFE0];
	vm0 =	vgt.f32 v35, v30  }
0x110: {  	v34 =	vsel vm3, v31, v34;
	vm1 =	vgt.f32 v27, v29;
	v19 =	vsel vm0, v35, v30;
	v30 =	vld [tilespmem:s22+$0xFFFFFFF0]  }
0x111: {  	v31 =	vld [tilespmem:s22+$0x70];
	v20 =	vsel vm1, v27, v29;
	v24 =	vsel vm1, v14, v38;
	vm1 =	vgt.f32 v36, v32  }
0x112: {  	v33 =	vsel vm2, v37, v33;
	v29 =	vld [tilespmem:s22+$0x60];
	v32 =	vsel vm1, v36, v32  }
0x113: {  	s21 =	simm.s32 $0x0;
	vm6 =	vgt.f32 v25, v34;
	vm5 =	vgt.f32 v12, v33;
	s22 =	simm.s32 $0x180;
	v27 =	vmovc v6;
	vm4 =	vgt.f32 v9, v32  }
.LBB2_14:
0x114: {  	v35 =	vld [tilespmem:s22+$0x0];
	v34 =	vsel vm6, v25, v34;
	v32 =	vsel vm4, v9, v32;
	v33 =	vsel vm5, v12, v33  }
0x115: {  	vm7 =	vgt.f32 v18, v21;
	vm8 =	vgt.f32 v28, v22;
	v36 =	vld [tilespmem:s22+$0x10];
	vm9 =	vgt.f32 v30, v23  }
0x116: {  	v12 =	vsel vm7, v18, v21;
	v18 =	vsel vm8, v28, v22;
	v25 =	vld [tilespmem:s22+$0x20];
	v23 =	vsel vm9, v30, v23  }
0x117: {  	vm10 =	vgt.f32 v11, v12;
	vm11 =	vgt.f32 v29, v18;
	v9 =	vld [tilespmem:s22+$0x30];
	vm12 =	vgt.f32 v31, v23  }
0x118: {  	v21 =	vsel vm10, v11, v12;
	v22 =	vsel vm11, v29, v18;
	v28 =	vld [tilespmem:s22+$0xFFFFFF80];
	v23 =	vsel vm12, v31, v23  }
0x119: {  	v8 =	vsel vm7, v27, v8;
	v10 =	vsel vm8, v27, v10;
	v11 =	vsel vm9, v27, v15;
	v18 =	vld [tilespmem:s22+$0xFFFFFF90]  }
0x11a: {  	v8 =	vsel vm10, v14, v8;
	v10 =	vsel vm11, v14, v10;
	v15 =	vsel vm12, v14, v11;
	v12 =	vld [tilespmem:s22+$0x40]  }
0x11b: {  	v16 =	vsel vm1, v27, v16;
	v17 =	vsel vm2, v27, v17;
	v11 =	vsel vm3, v27, v13;
	v31 =	vld [tilespmem:s22+$0xFFFFFFA0]  }
0x11c: {  	v16 =	vsel vm4, v14, v16;
	v17 =	vsel vm5, v14, v17;
	v13 =	vsel vm6, v14, v11;
	v37 =	vld [tilespmem:s22+$0xFFFFFFB0]  }
0x11d: {  	v26 =	vsel vm0, v14, v26;
	v27 =	vadd.s32 $0x2, v27;
	v38 =	vld [tilespmem:s22+$0xFFFFFFC0]  }
0x11e: {  	s21 =	sadd.s32 $0x2, s21;
	v14 =	vor.u32 $0x1, v27;
	vm0 =	vgt.f32 v28, v19;
	vm1 =	vgt.f32 v18, v20;
	v11 =	vld [tilespmem:s22+$0x50]  }
0x11f: {  	p0 =	slt.u32 s21, $0x18E;
	v19 =	vsel vm0, v28, v19;
	v20 =	vsel vm1, v18, v20;
	v24 =	vsel vm1, v27, v24;
	v18 =	vld [tilespmem:s22+$0xFFFFFFD0]  }
.Ltmp6:
0x120: {  	v26 =	vsel vm0, v27, v26;
	vm0 =	vgt.f32 v35, v19;
	v28 =	vld [tilespmem:s22+$0xFFFFFFE0];
	vm1 =	vgt.f32 v36, v20;
	(pc) =	sbr.rel @p0 .LBB2_14-.Ltmp6, $4  }
0x121: {  	v19 =	vsel vm0, v35, v19;
	v30 =	vld [tilespmem:s22+$0xFFFFFFF0];
	v20 =	vsel vm1, v36, v20;
	v24 =	vsel vm1, v14, v24  }
0x122: {  	vm3 =	vgt.f32 v31, v34;
	vm1 =	vgt.f32 v37, v32;
	vm2 =	vgt.f32 v38, v33;
	v29 =	vld [tilespmem:s22+$0x60]  }
0x123: {  	v34 =	vsel vm3, v31, v34;
	v32 =	vsel vm1, v37, v32;
	v33 =	vsel vm2, v38, v33;
	v31 =	vld [tilespmem:s22+$0x70]  }
0x124: {  	vm6 =	vgt.f32 v25, v34;
	vm4 =	vgt.f32 v9, v32;
	s22 =	sadd.s32 $0x100, s22;
	vm5 =	vgt.f32 v12, v33  }
0x125: {  	_ =	swait.ge [sflag:s16], $0xC800  }
0x126: {  	[sflag:s16] =	ssyncset.done $0x0  }
0x127: {  	s22 =	simm.s32 $0xC880;
	[sflag:s16] =	ssyncadd.s32 $0xFFFF3800  }
0x128: {  	v34 =	vsel vm6, v25, v34;
	v32 =	vsel vm4, v9, v32;
	v63 =	vld [tilespmem:s22+$0x0]  }
0x129: {  	v35 =	vsel vm5, v12, v33;
	vm7 =	vgt.f32 v18, v21;
	vm8 =	vgt.f32 v28, v22;
	v36 =	vld [tilespmem:s22+$0x10]  }
0x12a: {  	v13 =	vsel vm3, v27, v13;
	v9 =	vsel vm7, v18, v21;
	v12 =	vsel vm8, v28, v22;
	v21 =	vld [tilespmem:s22+$0x20]  }
0x12b: {  	vm9 =	vgt.f32 v30, v23;
	v8 =	vsel vm7, v27, v8;
	vm11 =	vgt.f32 v29, v12;
	v28 =	vld [tilespmem:s22+$0xFFFFFF80]  }
0x12c: {  	v10 =	vsel vm8, v27, v10;
	v22 =	vsel vm9, v30, v23;
	v12 =	vsel vm11, v29, v12;
	v29 =	vld [tilespmem:s22+$0xFFFFFF90]  }
0x12d: {  	vm10 =	vgt.f32 v11, v9;
	v15 =	vsel vm9, v27, v15;
	v23 =	vsel vm2, v27, v17;
	v37 =	vld [tilespmem:s22+$0xFFFFFFB0]  }
0x12e: {  	v17 =	vsel vm6, v14, v13;
	v13 =	vor.u32 $0x1, v7;
	vm12 =	vgt.f32 v31, v22;
	v38 =	vld [tilespmem:s22+$0xFFFFFFC0]  }
0x12f: {  	v18 =	vsel vm10, v11, v9;
	v11 =	vsel vm10, v14, v8;
	v9 =	vsel vm12, v31, v22;
	v31 =	vld [tilespmem:s22+$0xFFFFFFA0]  }
0x130: {  	v10 =	vsel vm11, v14, v10;
	v25 =	vld [tilespmem:s22+$0x40];
	v8 =	vsel vm12, v14, v15;
	v15 =	vsel vm1, v27, v16  }
0x131: {  	v22 =	vld [tilespmem:s22+$0x30];
	v16 =	vsel vm4, v14, v15;
	v15 =	vsel vm5, v14, v23;
	v14 =	vsel vm0, v14, v26  }
0x132: {  	v23 =	vld [tilespmem:s22+$0x50];
	vm0 =	vgt.f32 v28, v19;
	vm1 =	vgt.f32 v29, v20;
	vm2 =	vgt.f32 v37, v32  }
0x133: {  	v19 =	vsel vm0, v28, v19;
	v27 =	vsel vm1, v29, v20;
	v30 =	vsel vm1, v7, v24;
	v29 =	vld [tilespmem:s22+$0xFFFFFFD0]  }
0x134: {  	v20 =	vsel vm0, v7, v14;
	v28 =	vld [tilespmem:s22+$0xFFFFFFE0];
	vm3 =	vgt.f32 v31, v34;
	vm1 =	vgt.f32 v36, v27  }
0x135: {  	vm0 =	vgt.f32 v63, v19;
	v34 =	vsel vm3, v31, v34;
	v24 =	vsel vm1, v36, v27;
	v27 =	vld [tilespmem:s22+$0xFFFFFFF0]  }
0x136: {  	v31 =	vld [tilespmem:s22+$0x70];
	v26 =	vsel vm0, v63, v19;
	v19 =	vsel vm1, v13, v30;
	vm1 =	vgt.f32 v38, v35  }
0x137: {  	v33 =	vsel vm2, v37, v32;
	v30 =	vld [tilespmem:s22+$0x60];
	v32 =	vsel vm1, v38, v35  }
0x138: {  	s21 =	simm.s32 $0x0;
	v14 =	vmovc v7;
	vm5 =	vgt.f32 v22, v33;
	vm6 =	vgt.f32 v21, v34;
	s22 =	simm.s32 $0xC980;
	vm4 =	vgt.f32 v25, v32  }
.LBB2_16:
0x139: {  	v35 =	vld [tilespmem:s22+$0x0];
	v34 =	vsel vm6, v21, v34;
	v33 =	vsel vm5, v22, v33;
	v32 =	vsel vm4, v25, v32  }
0x13a: {  	vm7 =	vgt.f32 v29, v18;
	vm8 =	vgt.f32 v28, v12;
	v36 =	vld [tilespmem:s22+$0x10];
	vm9 =	vgt.f32 v27, v9  }
0x13b: {  	v18 =	vsel vm7, v29, v18;
	v12 =	vsel vm8, v28, v12;
	v21 =	vld [tilespmem:s22+$0x20];
	v9 =	vsel vm9, v27, v9  }
0x13c: {  	vm10 =	vgt.f32 v23, v18;
	vm11 =	vgt.f32 v30, v12;
	v22 =	vld [tilespmem:s22+$0x30];
	vm12 =	vgt.f32 v31, v9  }
0x13d: {  	v18 =	vsel vm10, v23, v18;
	v12 =	vsel vm11, v30, v12;
	v27 =	vld [tilespmem:s22+$0xFFFFFF80];
	v9 =	vsel vm12, v31, v9  }
0x13e: {  	v11 =	vsel vm7, v14, v11;
	v10 =	vsel vm8, v14, v10;
	v8 =	vsel vm9, v14, v8;
	v28 =	vld [tilespmem:s22+$0xFFFFFF90]  }
0x13f: {  	v11 =	vsel vm10, v13, v11;
	v10 =	vsel vm11, v13, v10;
	v8 =	vsel vm12, v13, v8;
	v25 =	vld [tilespmem:s22+$0x40]  }
0x140: {  	v17 =	vsel vm3, v14, v17;
	v16 =	vsel vm2, v14, v16;
	v15 =	vsel vm1, v14, v15;
	v31 =	vld [tilespmem:s22+$0xFFFFFFA0]  }
0x141: {  	v17 =	vsel vm6, v13, v17;
	v16 =	vsel vm5, v13, v16;
	v15 =	vsel vm4, v13, v15;
	v37 =	vld [tilespmem:s22+$0xFFFFFFB0]  }
0x142: {  	v20 =	vsel vm0, v13, v20;
	v14 =	vadd.s32 $0x2, v14;
	v38 =	vld [tilespmem:s22+$0xFFFFFFC0]  }
0x143: {  	s21 =	sadd.s32 $0x2, s21;
	v13 =	vor.u32 $0x1, v14;
	vm0 =	vgt.f32 v27, v26;
	vm1 =	vgt.f32 v28, v24;
	v23 =	vld [tilespmem:s22+$0x50]  }
0x144: {  	p0 =	slt.u32 s21, $0x18E;
	v26 =	vsel vm0, v27, v26;
	v24 =	vsel vm1, v28, v24;
	v19 =	vsel vm1, v14, v19;
	v29 =	vld [tilespmem:s22+$0xFFFFFFD0]  }
.Ltmp7:
0x145: {  	v20 =	vsel vm0, v14, v20;
	vm0 =	vgt.f32 v35, v26;
	v28 =	vld [tilespmem:s22+$0xFFFFFFE0];
	vm1 =	vgt.f32 v36, v24;
	(pc) =	sbr.rel @p0 .LBB2_16-.Ltmp7, $4  }
0x146: {  	v26 =	vsel vm0, v35, v26;
	v27 =	vld [tilespmem:s22+$0xFFFFFFF0];
	v24 =	vsel vm1, v36, v24;
	v19 =	vsel vm1, v13, v19  }
0x147: {  	vm3 =	vgt.f32 v31, v34;
	vm2 =	vgt.f32 v37, v33;
	vm1 =	vgt.f32 v38, v32;
	v30 =	vld [tilespmem:s22+$0x60]  }
0x148: {  	v34 =	vsel vm3, v31, v34;
	v33 =	vsel vm2, v37, v33;
	v32 =	vsel vm1, v38, v32;
	v31 =	vld [tilespmem:s22+$0x70]  }
0x149: {  	vm6 =	vgt.f32 v21, v34;
	vm5 =	vgt.f32 v22, v33;
	s22 =	sadd.s32 $0x100, s22;
	vm4 =	vgt.f32 v25, v32  }
0x14a: {  	[tilespmem:$0x19000] =	vst v26  }
0x14b: {  	[tilespmem:$0x19010] =	vst v24  }
0x14c: {  	v20 =	vsel vm0, v13, v20;
	[tilespmem:$0x19090] =	vst v19  }
0x14d: {  	v60 =	vsel vm6, v21, v34;
	[tilespmem:$0x19080] =	vst v20  }
0x14e: {  	v61 =	vsel vm5, v22, v33;
	[tilespmem:$0x19020] =	vst v60  }
0x14f: {  	v17 =	vsel vm3, v14, v17;
	v62 =	vsel vm4, v25, v32;
	[tilespmem:$0x19030] =	vst v61  }
0x150: {  	v16 =	vsel vm2, v14, v16;
	vm10 =	vgt.f32 v29, v18;
	v17 =	vsel vm6, v13, v17;
	[tilespmem:$0x19040] =	vst v62  }
0x151: {  	v15 =	vsel vm1, v14, v15;
	v16 =	vsel vm5, v13, v16;
	v18 =	vsel vm10, v29, v18;
	[tilespmem:$0x190A0] =	vst v17  }
0x152: {  	vm11 =	vgt.f32 v28, v12;
	v15 =	vsel vm4, v13, v15;
	[tilespmem:$0x190B0] =	vst v16;
	vm12 =	vgt.f32 v23, v18  }
0x153: {  	v12 =	vsel vm11, v28, v12;
	v11 =	vsel vm10, v14, v11;
	[tilespmem:$0x190C0] =	vst v15;
	v63 =	vsel vm12, v23, v18  }
0x154: {  	vm13 =	vgt.f32 v27, v9;
	vm14 =	vgt.f32 v30, v12;
	v11 =	vsel vm12, v13, v11;
	[tilespmem:$0x19050] =	vst v63  }
0x155: {  	v10 =	vsel vm11, v14, v10;
	v9 =	vsel vm13, v27, v9;
	v12 =	vsel vm14, v30, v12;
	[tilespmem:$0x190D0] =	vst v11  }
0x156: {  	vm15 =	vgt.f32 v31, v9;
	v10 =	vsel vm14, v13, v10;
	[tilespmem:$0x19060] =	vst v12  }
0x157: {  	v8 =	vsel vm13, v14, v8;
	v9 =	vsel vm15, v31, v9;
	[tilespmem:$0x190E0] =	vst v10  }
0x158: {  	v8 =	vsel vm15, v13, v8;
	[tilespmem:$0x19070] =	vst v9  }
0x159: {  	[tilespmem:$0x190F0] =	vst v8  }
0x15a: {  	[hbm4b:s11+s2] =	stream.linear.scatter [tilespmem:s17], [sflag:$0x3], $0x80, $0x38;
	[tilespmem:$0x19100] =	vst v63  }
0x15b: {  	s20 =	sadd.s32 $0x1, s20;
	_ =	swait.ge [sflag:s18], $0x80  }
0x15c: {  	p0 =	sne.s32 s20, s13;
	[sflag:s18] =	ssyncset.done $0x0  }
.Ltmp8:
0x15d: {  	[sflag:s18] =	ssyncadd.s32 $0xFFFFFF80;
	(pc) =	sbr.rel @p0 .LBB2_1-.Ltmp8, $4  }
0x15e: {  	[hbm4b:s12+s2] =	stream.linear.scatter [tilespmem:s19], [sflag:$0x3], $0x80, $0x38;
	[tilespmem:$0x19100] =	vst v63  }
0x15f: {  	_ =	swait.ge [sflag:s18], $0x80  }
0x160: {  	[sflag:s18] =	ssyncset.done $0x0  }
0x161: {  	[sflag:s18] =	ssyncadd.s32 $0xFFFFFF80  }
0x162: {  	_ =	sfence.sel $0x180000  }
0x163: {  	[bflag:$0x0] =	sbarrier.arrive $0xFFFF  }
0x164: {  	p0 =	sne.s32 s0, $0x0;
	_ =	strace $0x90000047  }
0x165: {  	s0 =	sadd.s32 @!p0 $0x100000, s1;
	[bflag:$0x2] =	sbarrier.arrive $0xFFFF  }
0x166: {  	[sflag:s0] =	ssyncadd.tile.s32 @!p0 $0x1;
	_ =	shalt  }
.Lfunc_end2:
_tile_overlayer_lowered:
.L_overlay_start_2:
0x167: {  	(tag) =	ssettag $0x2  }
0x168: {  	s0 =	rddreg [dreg:$0x0];
	s2 =	stileid.u32  }
0x169: {  	s1 =	rddreg [dreg:$0x1];
	p0 =	sne.s32 s2, $0x0  }
0x16a: {  	s3 =	rddreg [dreg:$0x2];
	[bflag:$0x3] =	sbarrier.arrive $0xFFFF;
	s2 =	simm.s32 @!p0 $0x1C03  }
0x16b: {  	[timem:s3], [sflag:s2] =	dma.local @!p0 [hbm:s0], s1  }
0x16c: {  	s0 =	simm.s32 @!p0 $0x3  }
0x16d: {  	_ =	swait.ge @!p0 [sflag:s0], s1  }
0x16e: {  	s1 =	ssub.s32 @!p0 $0x0, s1;
	[sflag:s0] =	ssyncset.done @!p0 $0x0  }
0x16f: {  	[sflag:s0] =	ssyncadd.s32 @!p0 s1  }
0x170: {  	[bflag:$0x3] =	sbarrier.arrive $0xFFFF  }
0x171: {  	_ =	shalt  }

</sc_bundles>
